<compile_context>
chip_gen: v7x
topology: tpu7x:2x2x1
jax: 0.10.2.dev20260603
libtpu: 0.0.44.dev20260713+nightly
codegen_flags: <defaults>
</compile_context>

<pallas_src>
import functools

import jax
import jax.numpy as jnp
from jax import lax
from jax.experimental import pallas as pl
from jax.experimental.pallas import tpu as pltpu
from jax.experimental.pallas import tpu_sc as plsc

_B, _F, _H, _W, _C = 1, 64, 32, 32, 768
_T = _H * _W
_EPS = 1e-12

_F_SC = 24
_F_TC = _F - _F_SC


_NC, _NS, _L = 2, 16, 16
_NW = _NC * _NS
_TPW = _T // _NW
_SLAB = _TPW * _C
_NCHUNK = _SLAB // _L
_NBUF = 4


def _sc_sum_body(g_hbm, out_hbm, b0, b1, b2, b3, acc, s0, s1, s2, s3):
    bufs = (b0, b1, b2, b3)
    sems = (s0, s1, s2, s3)
    wid = lax.axis_index("s") * _NC + lax.axis_index("c")

    zeros = jnp.zeros((_L,), jnp.float32)

    def zrow(r, c):
        @plsc.parallel_loop(0, _C, step=_L, unroll=8)
        def _z(i):
            acc[r, pl.ds(i, _L)] = zeros
        return c

    lax.fori_loop(0, _W, zrow, 0)

    def fire(f, b):
        pltpu.async_copy(g_hbm.at[_F_TC + f, wid], bufs[b], sems[b])

    def wait(b):
        pltpu.make_async_copy(g_hbm.at[0, 0], bufs[b], sems[b]).wait()

    for b in range(_NBUF):
        fire(b, b)

    def round_body(r, c):
        for b in range(_NBUF):
            wait(b)

            def arow(rr, cc):
                @plsc.parallel_loop(0, _C, step=_L, unroll=8)
                def _a(i):
                    sl = pl.ds(i, _L)
                    plsc.addupdate(acc.at[rr, sl], bufs[b][rr, sl])
                return cc

            lax.fori_loop(0, _W, arow, 0)

            nxt = (r + 1) * _NBUF + b

            @pl.when(nxt < _F_SC)
            def _refire():
                fire(nxt, b)

        return c

    lax.fori_loop(0, _F_SC // _NBUF, round_body, 0)
    pltpu.sync_copy(acc, out_hbm.at[wid])


def _sc_sum(g4d):
    mesh = plsc.VectorSubcoreMesh(core_axis_name="c", subcore_axis_name="s")
    return pl.kernel(
        _sc_sum_body,
        out_type=jax.ShapeDtypeStruct((_H, _W, _C), jnp.float32),
        mesh=mesh,
        compiler_params=pltpu.CompilerParams(use_tc_tiling_on_sc=True),
        scratch_types=(
            [pltpu.VMEM((_W, _C), jnp.float32)] * _NBUF
            + [pltpu.VMEM((_W, _C), jnp.float32)]
            + [pltpu.SemaphoreType.DMA] * _NBUF
        ),
    )(g4d)



_FB = 4


def _tc_sum_body(g_ref, out_ref, acc_ref):
    f = pl.program_id(0)
    part = g_ref[0]
    for i in range(1, _FB):
        part = part + g_ref[i]

    @pl.when(f == 0)
    def _init():
        acc_ref[...] = part

    @pl.when(f > 0)
    def _accum():
        acc_ref[...] += part

    @pl.when(f == (_F_TC // _FB) - 1)
    def _finish():
        out_ref[...] = acc_ref[...]


def _combine_body(s_ref, row_ref, col_ref, tte_ref, w_ref, b_ref, out_ref):
    x = s_ref[...] * (1.0 / _F)
    x = x + row_ref[...][:, None, :] + col_ref[...][None, :, :]
    x = x + tte_ref[...][None, :, :]
    mu = jnp.mean(x, axis=-1, keepdims=True)
    var = jnp.mean(jnp.square(x - mu), axis=-1, keepdims=True)
    y = (x - mu) * jax.lax.rsqrt(var + _EPS)
    out_ref[...] = y * w_ref[...][None, :, :] + b_ref[...][None, :, :]


def _combine2_body(s_ref, t_ref, row_ref, col_ref, tte_ref, w_ref, b_ref,
                   out_ref):
    x = (s_ref[...] + t_ref[...]) * (1.0 / _F)
    x = x + row_ref[...][:, None, :] + col_ref[...][None, :, :]
    x = x + tte_ref[...][None, :, :]
    mu = jnp.mean(x, axis=-1, keepdims=True)
    var = jnp.mean(jnp.square(x - mu), axis=-1, keepdims=True)
    y = (x - mu) * jax.lax.rsqrt(var + _EPS)
    out_ref[...] = y * w_ref[...][None, :, :] + b_ref[...][None, :, :]


_WHOLE = pl.BlockSpec((_H, _W, _C), lambda: (0, 0, 0))
_EMB_SPECS = [
    pl.BlockSpec((_H, _C), lambda: (0, 0)),
    pl.BlockSpec((_W, _C), lambda: (0, 0)),
    pl.BlockSpec((1, _C), lambda: (0, 0)),
    pl.BlockSpec((1, _C), lambda: (0, 0)),
    pl.BlockSpec((1, _C), lambda: (0, 0)),
]


def kernel(grid, row_emb, col_emb, token_type_emb, ln_weight, ln_bias):
    g = grid.reshape(_F, _H, _W, _C)
    w2 = ln_weight.reshape(1, _C)
    b2 = ln_bias.reshape(1, _C)

    sc_part = _sc_sum(g)

    if _F_TC:
        tc_part = pl.pallas_call(
            _tc_sum_body,
            grid=(_F_TC // _FB,),
            in_specs=[pl.BlockSpec((_FB, _H, _W, _C), lambda f: (f, 0, 0, 0))],
            out_specs=pl.BlockSpec((_H, _W, _C), lambda f: (0, 0, 0)),
            out_shape=jax.ShapeDtypeStruct((_H, _W, _C), jnp.float32),
            scratch_shapes=[pltpu.VMEM((_H, _W, _C), jnp.float32)],
        )(g)
        out = pl.pallas_call(
            _combine2_body,
            in_specs=[_WHOLE, _WHOLE] + _EMB_SPECS,
            out_specs=_WHOLE,
            out_shape=jax.ShapeDtypeStruct((_H, _W, _C), jnp.float32),
        )(sc_part, tc_part, row_emb, col_emb, token_type_emb, w2, b2)
    else:
        out = pl.pallas_call(
            _combine_body,
            in_specs=[_WHOLE] + _EMB_SPECS,
            out_specs=_WHOLE,
            out_shape=jax.ShapeDtypeStruct((_H, _W, _C), jnp.float32),
        )(sc_part, row_emb, col_emb, token_type_emb, w2, b2)
    return out.reshape(_B, _T, _C)

# --- scband reference (transcript-rebuilt; emitter-appended) ---
"""Pipeline reference for scband-tvp-visual-input-embedding-32633161515758 (READ-ONLY COPY).

The authoritative reference and input builder live on the scoring server;
editing this copy changes nothing except your own understanding.
"""

import jax, jax.numpy as jnp
import numpy as np

B, F, H, W, C = 1, 64, 32, 32, 768
MAX_ROW, MAX_COL = 32, 32
EPS = 1e-12

def setup_inputs(seed: int = 0) -> dict:
    key = jax.random.key(seed)
    k1, k2, k3, k4 = jax.random.split(key, 4)
    grid = jax.random.normal(k1, (B, F, H, W, C), dtype=jnp.float32)
    row_emb = jax.random.normal(k2, (MAX_ROW, C), dtype=jnp.float32) * 0.02
    col_emb = jax.random.normal(k3, (MAX_COL, C), dtype=jnp.float32) * 0.02
    token_type_emb = jax.random.normal(k4, (1, C), dtype=jnp.float32) * 0.02
    ln_weight = jnp.ones((C,), dtype=jnp.float32)
    ln_bias = jnp.zeros((C,), dtype=jnp.float32)
    return {"grid": grid, "row_emb": row_emb, "col_emb": col_emb,
            "token_type_emb": token_type_emb, "ln_weight": ln_weight, "ln_bias": ln_bias}

def reference(grid, row_emb, col_emb, token_type_emb, ln_weight, ln_bias):
    # grid: (B, F, H, W, C) -> temporal mean over frames
    g = jnp.mean(grid, axis=1)  # (B, H, W, C)
    b, h, w, c = g.shape
    # 2D positional embeddings (no interpolation; grid fits within max sizes)
    row_h = min(MAX_ROW, h)
    row_ids = jnp.arange(row_h, dtype=jnp.int32)
    row_pos = jnp.take(row_emb, row_ids, axis=0).reshape(1, row_h, 1, c)
    col_w = min(MAX_COL, w)
    col_ids = jnp.arange(col_w, dtype=jnp.int32)
    col_pos = jnp.take(col_emb, col_ids, axis=0).reshape(b, 1, col_w, c)  # b must be 1
    g = g + (row_pos + col_pos)
    visual_tokens = g.reshape(b, -1, c)  # (B, H*W, C)
    token_type_ids = jnp.zeros(visual_tokens.shape[:-1], dtype=jnp.int32)
    tte = jnp.take(token_type_emb, token_type_ids, axis=0)  # (B, H*W, C)
    emb = visual_tokens + tte
    # LayerNorm over last dim
    mu = jnp.mean(emb, axis=-1, keepdims=True)
    var = jnp.mean(jnp.square(emb - mu), axis=-1, keepdims=True)
    emb = (emb - mu) / jnp.sqrt(var + EPS)
    emb = emb * ln_weight + ln_bias
    # dropout prob = 0.0 -> identity
    return emb

if __name__ == "__main__":
    import jax
    _d = setup_inputs()
    print(jax.jit(kernel)(*tuple(_d.values())))

</pallas_src>

<mosaic_0001>
#map = affine_map<(d0, d1) -> (0, 0, 0, 0)>
#map1 = affine_map<(d0, d1) -> (0, 0, 0)>
module attributes {stable_mosaic.version = 14 : i64} {
  func.func @_sc_sum_body(%arg0: i32, %arg1: i32, %arg2: memref<64x32x32x768xf32, #tpu.memory_space<hbm>>, %arg3: memref<32x32x768xf32, #tpu.memory_space<hbm>>, %arg4: memref<32x768xf32, #tpu.memory_space<vmem>>, %arg5: memref<32x768xf32, #tpu.memory_space<vmem>>, %arg6: memref<32x768xf32, #tpu.memory_space<vmem>>, %arg7: memref<32x768xf32, #tpu.memory_space<vmem>>, %arg8: memref<32x768xf32, #tpu.memory_space<vmem>>, %arg9: memref<!tpu.dma_semaphore, #tpu.memory_space<semaphore_mem>>, %arg10: memref<!tpu.dma_semaphore, #tpu.memory_space<semaphore_mem>>, %arg11: memref<!tpu.dma_semaphore, #tpu.memory_space<semaphore_mem>>, %arg12: memref<!tpu.dma_semaphore, #tpu.memory_space<semaphore_mem>>) attributes {dimension_semantics = [#tpu.dimension_semantics<core_parallel>, #tpu.dimension_semantics<subcore_parallel>], iteration_bounds = array<i64: 2, 16>, scalar_prefetch = 0 : i64, scratch_operands = 9 : i64, tpu.core_type = #tpu.core_type<sc_vector_subcore>, window_params = [{transform_indices = #map}, {transform_indices = #map1}]} {
    %mul3A = arith.constant 2 : i32
    %mul3A_0 = arith.muli %arg1, %mul3A : i32
    %add3A = arith.addi %mul3A_0, %arg0 : i32
    %broadcast_in_dim3A = arith.constant 0.000000e+00 : f32
    %broadcast_in_dim3A_1 = vector.broadcast %broadcast_in_dim3A : f32 to vector<16xf32>
    %scan3A = arith.constant 0 : i32
    %scan3A_2 = arith.constant 0 : i32
    %scan3A_3 = arith.constant 32 : i32
    %scan3A_4 = arith.addi %scan3A_2, %scan3A_3 : i32
    %scan3A_5 = arith.constant 1 : i32
    scf.for %scan3A_48 = %scan3A_2 to %scan3A_4 step %scan3A_5  : i32 {
      %parallel_loop3A = arith.constant 0 : i32
      %parallel_loop3A_49 = arith.constant 768 : i32
      %parallel_loop3A_50 = arith.constant 16 : i32
      scf.for %parallel_loop3A_51 = %parallel_loop3A to %parallel_loop3A_49 step %parallel_loop3A_50  : i32 {
        %parallel_loop3A_52 = arith.index_cast %scan3A_48 : i32 to index
        %parallel_loop3A_53 = arith.index_cast %parallel_loop3A_51 : i32 to index
        %parallel_loop3A_54 = tpu.vector_load %arg8[%parallel_loop3A_52, %parallel_loop3A_53] {strides = array<i32>} : memref<32x768xf32, #tpu.memory_space<vmem>>, vector<1x16xf32>,
        %parallel_loop3A_55 = vector.shape_cast %parallel_loop3A_54 : vector<1x16xf32> to vector<16xf32>
        %parallel_loop3A_56 = vector.shape_cast %broadcast_in_dim3A_1 : vector<16xf32> to vector<1x16xf32>
        tpu.vector_store %arg8[%parallel_loop3A_52, %parallel_loop3A_53], %parallel_loop3A_56 {strides = array<i32>} : memref<32x768xf32, #tpu.memory_space<vmem>>, vector<1x16xf32>,
      } {sc.loop_unroll_factor = 8 : i64, sc.parallel_access}
    }
    %scan3A_6 = arith.constant 32 : i32
    %dma_start3A = arith.constant 40 : i32
    %dma_start3A_7 = arith.constant 0 : i32
    %dma_start3A_8 = arith.constant 0 : i32
    %dma_start3A_9 = tpu.memref_slice %arg2[%dma_start3A, %add3A, %dma_start3A_7, %dma_start3A_8] : memref<64x32x32x768xf32, #tpu.memory_space<hbm>> -> memref<1x1x32x768xf32, #tpu.memory_space<hbm>>
    %dma_start3A_10 = tpu.memref_squeeze %dma_start3A_9 : memref<1x1x32x768xf32, #tpu.memory_space<hbm>> -> memref<32x768xf32, #tpu.memory_space<hbm>>
    %dma_start3A_11 = arith.constant 0 : i32
    %dma_start3A_12 = arith.constant 0 : i32
    %dma_start3A_13 = tpu.memref_slice %arg2[%dma_start3A, %add3A, %dma_start3A_11, %dma_start3A_12] : memref<64x32x32x768xf32, #tpu.memory_space<hbm>> -> memref<1x1x32x768xf32, #tpu.memory_space<hbm>>
    %dma_start3A_14 = tpu.memref_squeeze %dma_start3A_13 : memref<1x1x32x768xf32, #tpu.memory_space<hbm>> -> memref<32x768xf32, #tpu.memory_space<hbm>>
    tpu.enqueue_dma source(%dma_start3A_14 : memref<32x768xf32, #tpu.memory_space<hbm>>) target(%arg4 : memref<32x768xf32, #tpu.memory_space<vmem>>) target_semaphore(%arg9 : memref<!tpu.dma_semaphore, #tpu.memory_space<semaphore_mem>>)
    %dma_start3A_15 = arith.constant 41 : i32
    %dma_start3A_16 = arith.constant 0 : i32
    %dma_start3A_17 = arith.constant 0 : i32
    %dma_start3A_18 = tpu.memref_slice %arg2[%dma_start3A_15, %add3A, %dma_start3A_16, %dma_start3A_17] : memref<64x32x32x768xf32, #tpu.memory_space<hbm>> -> memref<1x1x32x768xf32, #tpu.memory_space<hbm>>
    %dma_start3A_19 = tpu.memref_squeeze %dma_start3A_18 : memref<1x1x32x768xf32, #tpu.memory_space<hbm>> -> memref<32x768xf32, #tpu.memory_space<hbm>>
    %dma_start3A_20 = arith.constant 0 : i32
    %dma_start3A_21 = arith.constant 0 : i32
    %dma_start3A_22 = tpu.memref_slice %arg2[%dma_start3A_15, %add3A, %dma_start3A_20, %dma_start3A_21] : memref<64x32x32x768xf32, #tpu.memory_space<hbm>> -> memref<1x1x32x768xf32, #tpu.memory_space<hbm>>
    %dma_start3A_23 = tpu.memref_squeeze %dma_start3A_22 : memref<1x1x32x768xf32, #tpu.memory_space<hbm>> -> memref<32x768xf32, #tpu.memory_space<hbm>>
    tpu.enqueue_dma source(%dma_start3A_23 : memref<32x768xf32, #tpu.memory_space<hbm>>) target(%arg5 : memref<32x768xf32, #tpu.memory_space<vmem>>) target_semaphore(%arg10 : memref<!tpu.dma_semaphore, #tpu.memory_space<semaphore_mem>>)
    %dma_start3A_24 = arith.constant 42 : i32
    %dma_start3A_25 = arith.constant 0 : i32
    %dma_start3A_26 = arith.constant 0 : i32
    %dma_start3A_27 = tpu.memref_slice %arg2[%dma_start3A_24, %add3A, %dma_start3A_25, %dma_start3A_26] : memref<64x32x32x768xf32, #tpu.memory_space<hbm>> -> memref<1x1x32x768xf32, #tpu.memory_space<hbm>>
    %dma_start3A_28 = tpu.memref_squeeze %dma_start3A_27 : memref<1x1x32x768xf32, #tpu.memory_space<hbm>> -> memref<32x768xf32, #tpu.memory_space<hbm>>
    %dma_start3A_29 = arith.constant 0 : i32
    %dma_start3A_30 = arith.constant 0 : i32
    %dma_start3A_31 = tpu.memref_slice %arg2[%dma_start3A_24, %add3A, %dma_start3A_29, %dma_start3A_30] : memref<64x32x32x768xf32, #tpu.memory_space<hbm>> -> memref<1x1x32x768xf32, #tpu.memory_space<hbm>>
    %dma_start3A_32 = tpu.memref_squeeze %dma_start3A_31 : memref<1x1x32x768xf32, #tpu.memory_space<hbm>> -> memref<32x768xf32, #tpu.memory_space<hbm>>
    tpu.enqueue_dma source(%dma_start3A_32 : memref<32x768xf32, #tpu.memory_space<hbm>>) target(%arg6 : memref<32x768xf32, #tpu.memory_space<vmem>>) target_semaphore(%arg11 : memref<!tpu.dma_semaphore, #tpu.memory_space<semaphore_mem>>)
    %dma_start3A_33 = arith.constant 43 : i32
    %dma_start3A_34 = arith.constant 0 : i32
    %dma_start3A_35 = arith.constant 0 : i32
    %dma_start3A_36 = tpu.memref_slice %arg2[%dma_start3A_33, %add3A, %dma_start3A_34, %dma_start3A_35] : memref<64x32x32x768xf32, #tpu.memory_space<hbm>> -> memref<1x1x32x768xf32, #tpu.memory_space<hbm>>
    %dma_start3A_37 = tpu.memref_squeeze %dma_start3A_36 : memref<1x1x32x768xf32, #tpu.memory_space<hbm>> -> memref<32x768xf32, #tpu.memory_space<hbm>>
    %dma_start3A_38 = arith.constant 0 : i32
    %dma_start3A_39 = arith.constant 0 : i32
    %dma_start3A_40 = tpu.memref_slice %arg2[%dma_start3A_33, %add3A, %dma_start3A_38, %dma_start3A_39] : memref<64x32x32x768xf32, #tpu.memory_space<hbm>> -> memref<1x1x32x768xf32, #tpu.memory_space<hbm>>
    %dma_start3A_41 = tpu.memref_squeeze %dma_start3A_40 : memref<1x1x32x768xf32, #tpu.memory_space<hbm>> -> memref<32x768xf32, #tpu.memory_space<hbm>>
    tpu.enqueue_dma source(%dma_start3A_41 : memref<32x768xf32, #tpu.memory_space<hbm>>) target(%arg7 : memref<32x768xf32, #tpu.memory_space<vmem>>) target_semaphore(%arg12 : memref<!tpu.dma_semaphore, #tpu.memory_space<semaphore_mem>>)
    %scan3A_42 = arith.constant 0 : i32
    %scan3A_43 = arith.constant 0 : i32
    %scan3A_44 = arith.constant 6 : i32
    %scan3A_45 = arith.addi %scan3A_43, %scan3A_44 : i32
    %scan3A_46 = arith.constant 1 : i32
    scf.for %scan3A_48 = %scan3A_43 to %scan3A_45 step %scan3A_46  : i32 {
      %dma_wait3A = arith.constant 0 : i32
      %dma_wait3A_49 = arith.constant 0 : i32
      %dma_wait3A_50 = arith.constant 0 : i32
      %dma_wait3A_51 = arith.constant 0 : i32
      %dma_wait3A_52 = tpu.memref_slice %arg2[%dma_wait3A, %dma_wait3A_49, %dma_wait3A_50, %dma_wait3A_51] : memref<64x32x32x768xf32, #tpu.memory_space<hbm>> -> memref<1x1x32x768xf32, #tpu.memory_space<hbm>>
      %dma_wait3A_53 = tpu.memref_squeeze %dma_wait3A_52 : memref<1x1x32x768xf32, #tpu.memory_space<hbm>> -> memref<32x768xf32, #tpu.memory_space<hbm>>
      %dma_wait3A_54 = arith.constant 0 : i32
      %dma_wait3A_55 = arith.constant 0 : i32
      %dma_wait3A_56 = tpu.memref_slice %arg2[%dma_wait3A, %dma_wait3A_49, %dma_wait3A_54, %dma_wait3A_55] : memref<64x32x32x768xf32, #tpu.memory_space<hbm>> -> memref<1x1x32x768xf32, #tpu.memory_space<hbm>>
      %dma_wait3A_57 = tpu.memref_squeeze %dma_wait3A_56 : memref<1x1x32x768xf32, #tpu.memory_space<hbm>> -> memref<32x768xf32, #tpu.memory_space<hbm>>
      tpu.wait_dma2 semaphore(%arg9 : memref<!tpu.dma_semaphore, #tpu.memory_space<semaphore_mem>>) src(%dma_wait3A_57 : memref<32x768xf32, #tpu.memory_space<hbm>>) dst(%arg4 : memref<32x768xf32, #tpu.memory_space<vmem>>)
      %scan3A_58 = arith.constant 0 : i32
      %scan3A_59 = arith.constant 0 : i32
      %scan3A_60 = arith.constant 32 : i32
      %scan3A_61 = arith.addi %scan3A_59, %scan3A_60 : i32
      %scan3A_62 = arith.constant 1 : i32
      scf.for %scan3A_153 = %scan3A_59 to %scan3A_61 step %scan3A_62  : i32 {
        %parallel_loop3A = arith.constant 0 : i32
        %parallel_loop3A_154 = arith.constant 768 : i32
        %parallel_loop3A_155 = arith.constant 16 : i32
        scf.for %parallel_loop3A_156 = %parallel_loop3A to %parallel_loop3A_154 step %parallel_loop3A_155  : i32 {
          %parallel_loop3A_157 = arith.index_cast %scan3A_153 : i32 to index
          %parallel_loop3A_158 = arith.index_cast %parallel_loop3A_156 : i32 to index
          %parallel_loop3A_159 = tpu.vector_load %arg4[%parallel_loop3A_157, %parallel_loop3A_158] {strides = array<i32>} : memref<32x768xf32, #tpu.memory_space<vmem>>, vector<1x16xf32>,
          %parallel_loop3A_160 = vector.shape_cast %parallel_loop3A_159 : vector<1x16xf32> to vector<16xf32>
          %parallel_loop3A_161 = arith.index_cast %scan3A_153 : i32 to index
          %parallel_loop3A_162 = arith.index_cast %parallel_loop3A_156 : i32 to index
          %parallel_loop3A_163 = tpu.vector_load %arg8[%parallel_loop3A_161, %parallel_loop3A_162] {strides = array<i32>} : memref<32x768xf32, #tpu.memory_space<vmem>>, vector<1x16xf32>,
          %parallel_loop3A_164 = vector.shape_cast %parallel_loop3A_163 : vector<1x16xf32> to vector<16xf32>
          %parallel_loop3A_165 = vector.shape_cast %parallel_loop3A_160 : vector<16xf32> to vector<1x16xf32>
          tpu.vector_store %arg8[%parallel_loop3A_161, %parallel_loop3A_162], %parallel_loop3A_165 {add = true, strides = array<i32>} : memref<32x768xf32, #tpu.memory_space<vmem>>, vector<1x16xf32>,
        } {sc.loop_unroll_factor = 8 : i64, sc.parallel_access}
      }
      %scan3A_63 = arith.constant 32 : i32
      %add3A_64 = arith.constant 1 : i32
      %add3A_65 = arith.addi %scan3A_48, %add3A_64 : i32
      %mul3A_66 = arith.constant 4 : i32
      %mul3A_67 = arith.muli %add3A_65, %mul3A_66 : i32
      %add3A_68 = arith.constant 0 : i32
      %add3A_69 = arith.addi %mul3A_67, %add3A_68 : i32
      %lt3A = arith.constant 24 : i32
      %lt3A_70 = arith.cmpi slt, %add3A_69, %lt3A : i32
      %convert_element_type3A = arith.extui %lt3A_70 : i1 to i32
      %cond3A = arith.constant 0 : i32
      %cond3A_71 = arith.cmpi ne, %convert_element_type3A, %cond3A : i32
      scf.if %cond3A_71 {
        %add3A_153 = arith.constant 40 : i32
        %add3A_154 = arith.addi %add3A_153, %add3A_69 : i32
        %dma_start3A_155 = arith.constant 0 : i32
        %dma_start3A_156 = arith.constant 0 : i32
        %dma_start3A_157 = tpu.memref_slice %arg2[%add3A_154, %add3A, %dma_start3A_155, %dma_start3A_156] : memref<64x32x32x768xf32, #tpu.memory_space<hbm>> -> memref<1x1x32x768xf32, #tpu.memory_space<hbm>>
        %dma_start3A_158 = tpu.memref_squeeze %dma_start3A_157 : memref<1x1x32x768xf32, #tpu.memory_space<hbm>> -> memref<32x768xf32, #tpu.memory_space<hbm>>
        %dma_start3A_159 = arith.constant 0 : i32
        %dma_start3A_160 = arith.constant 0 : i32
        %dma_start3A_161 = tpu.memref_slice %arg2[%add3A_154, %add3A, %dma_start3A_159, %dma_start3A_160] : memref<64x32x32x768xf32, #tpu.memory_space<hbm>> -> memref<1x1x32x768xf32, #tpu.memory_space<hbm>>
        %dma_start3A_162 = tpu.memref_squeeze %dma_start3A_161 : memref<1x1x32x768xf32, #tpu.memory_space<hbm>> -> memref<32x768xf32, #tpu.memory_space<hbm>>
        tpu.enqueue_dma source(%dma_start3A_162 : memref<32x768xf32, #tpu.memory_space<hbm>>) target(%arg4 : memref<32x768xf32, #tpu.memory_space<vmem>>) target_semaphore(%arg9 : memref<!tpu.dma_semaphore, #tpu.memory_space<semaphore_mem>>)
      } else {
      }
      %dma_wait3A_72 = arith.constant 0 : i32
      %dma_wait3A_73 = arith.constant 0 : i32
      %dma_wait3A_74 = arith.constant 0 : i32
      %dma_wait3A_75 = arith.constant 0 : i32
      %dma_wait3A_76 = tpu.memref_slice %arg2[%dma_wait3A_72, %dma_wait3A_73, %dma_wait3A_74, %dma_wait3A_75] : memref<64x32x32x768xf32, #tpu.memory_space<hbm>> -> memref<1x1x32x768xf32, #tpu.memory_space<hbm>>
      %dma_wait3A_77 = tpu.memref_squeeze %dma_wait3A_76 : memref<1x1x32x768xf32, #tpu.memory_space<hbm>> -> memref<32x768xf32, #tpu.memory_space<hbm>>
      %dma_wait3A_78 = arith.constant 0 : i32
      %dma_wait3A_79 = arith.constant 0 : i32
      %dma_wait3A_80 = tpu.memref_slice %arg2[%dma_wait3A_72, %dma_wait3A_73, %dma_wait3A_78, %dma_wait3A_79] : memref<64x32x32x768xf32, #tpu.memory_space<hbm>> -> memref<1x1x32x768xf32, #tpu.memory_space<hbm>>
      %dma_wait3A_81 = tpu.memref_squeeze %dma_wait3A_80 : memref<1x1x32x768xf32, #tpu.memory_space<hbm>> -> memref<32x768xf32, #tpu.memory_space<hbm>>
      tpu.wait_dma2 semaphore(%arg10 : memref<!tpu.dma_semaphore, #tpu.memory_space<semaphore_mem>>) src(%dma_wait3A_81 : memref<32x768xf32, #tpu.memory_space<hbm>>) dst(%arg5 : memref<32x768xf32, #tpu.memory_space<vmem>>)
      %scan3A_82 = arith.constant 0 : i32
      %scan3A_83 = arith.constant 0 : i32
      %scan3A_84 = arith.constant 32 : i32
      %scan3A_85 = arith.addi %scan3A_83, %scan3A_84 : i32
      %scan3A_86 = arith.constant 1 : i32
      scf.for %scan3A_153 = %scan3A_83 to %scan3A_85 step %scan3A_86  : i32 {
        %parallel_loop3A = arith.constant 0 : i32
        %parallel_loop3A_154 = arith.constant 768 : i32
        %parallel_loop3A_155 = arith.constant 16 : i32
        scf.for %parallel_loop3A_156 = %parallel_loop3A to %parallel_loop3A_154 step %parallel_loop3A_155  : i32 {
          %parallel_loop3A_157 = arith.index_cast %scan3A_153 : i32 to index
          %parallel_loop3A_158 = arith.index_cast %parallel_loop3A_156 : i32 to index
          %parallel_loop3A_159 = tpu.vector_load %arg5[%parallel_loop3A_157, %parallel_loop3A_158] {strides = array<i32>} : memref<32x768xf32, #tpu.memory_space<vmem>>, vector<1x16xf32>,
          %parallel_loop3A_160 = vector.shape_cast %parallel_loop3A_159 : vector<1x16xf32> to vector<16xf32>
          %parallel_loop3A_161 = arith.index_cast %scan3A_153 : i32 to index
          %parallel_loop3A_162 = arith.index_cast %parallel_loop3A_156 : i32 to index
          %parallel_loop3A_163 = tpu.vector_load %arg8[%parallel_loop3A_161, %parallel_loop3A_162] {strides = array<i32>} : memref<32x768xf32, #tpu.memory_space<vmem>>, vector<1x16xf32>,
          %parallel_loop3A_164 = vector.shape_cast %parallel_loop3A_163 : vector<1x16xf32> to vector<16xf32>
          %parallel_loop3A_165 = vector.shape_cast %parallel_loop3A_160 : vector<16xf32> to vector<1x16xf32>
          tpu.vector_store %arg8[%parallel_loop3A_161, %parallel_loop3A_162], %parallel_loop3A_165 {add = true, strides = array<i32>} : memref<32x768xf32, #tpu.memory_space<vmem>>, vector<1x16xf32>,
        } {sc.loop_unroll_factor = 8 : i64, sc.parallel_access}
      }
      %scan3A_87 = arith.constant 32 : i32
      %add3A_88 = arith.constant 1 : i32
      %add3A_89 = arith.addi %scan3A_48, %add3A_88 : i32
      %mul3A_90 = arith.constant 4 : i32
      %mul3A_91 = arith.muli %add3A_89, %mul3A_90 : i32
      %add3A_92 = arith.constant 1 : i32
      %add3A_93 = arith.addi %mul3A_91, %add3A_92 : i32
      %lt3A_94 = arith.constant 24 : i32
      %lt3A_95 = arith.cmpi slt, %add3A_93, %lt3A_94 : i32
      %convert_element_type3A_96 = arith.extui %lt3A_95 : i1 to i32
      %cond3A_97 = arith.constant 0 : i32
      %cond3A_98 = arith.cmpi ne, %convert_element_type3A_96, %cond3A_97 : i32
      scf.if %cond3A_98 {
        %add3A_153 = arith.constant 40 : i32
        %add3A_154 = arith.addi %add3A_153, %add3A_93 : i32
        %dma_start3A_155 = arith.constant 0 : i32
        %dma_start3A_156 = arith.constant 0 : i32
        %dma_start3A_157 = tpu.memref_slice %arg2[%add3A_154, %add3A, %dma_start3A_155, %dma_start3A_156] : memref<64x32x32x768xf32, #tpu.memory_space<hbm>> -> memref<1x1x32x768xf32, #tpu.memory_space<hbm>>
        %dma_start3A_158 = tpu.memref_squeeze %dma_start3A_157 : memref<1x1x32x768xf32, #tpu.memory_space<hbm>> -> memref<32x768xf32, #tpu.memory_space<hbm>>
        %dma_start3A_159 = arith.constant 0 : i32
        %dma_start3A_160 = arith.constant 0 : i32
        %dma_start3A_161 = tpu.memref_slice %arg2[%add3A_154, %add3A, %dma_start3A_159, %dma_start3A_160] : memref<64x32x32x768xf32, #tpu.memory_space<hbm>> -> memref<1x1x32x768xf32, #tpu.memory_space<hbm>>
        %dma_start3A_162 = tpu.memref_squeeze %dma_start3A_161 : memref<1x1x32x768xf32, #tpu.memory_space<hbm>> -> memref<32x768xf32, #tpu.memory_space<hbm>>
        tpu.enqueue_dma source(%dma_start3A_162 : memref<32x768xf32, #tpu.memory_space<hbm>>) target(%arg5 : memref<32x768xf32, #tpu.memory_space<vmem>>) target_semaphore(%arg10 : memref<!tpu.dma_semaphore, #tpu.memory_space<semaphore_mem>>)
      } else {
      }
      %dma_wait3A_99 = arith.constant 0 : i32
      %dma_wait3A_100 = arith.constant 0 : i32
      %dma_wait3A_101 = arith.constant 0 : i32
      %dma_wait3A_102 = arith.constant 0 : i32
      %dma_wait3A_103 = tpu.memref_slice %arg2[%dma_wait3A_99, %dma_wait3A_100, %dma_wait3A_101, %dma_wait3A_102] : memref<64x32x32x768xf32, #tpu.memory_space<hbm>> -> memref<1x1x32x768xf32, #tpu.memory_space<hbm>>
      %dma_wait3A_104 = tpu.memref_squeeze %dma_wait3A_103 : memref<1x1x32x768xf32, #tpu.memory_space<hbm>> -> memref<32x768xf32, #tpu.memory_space<hbm>>
      %dma_wait3A_105 = arith.constant 0 : i32
      %dma_wait3A_106 = arith.constant 0 : i32
      %dma_wait3A_107 = tpu.memref_slice %arg2[%dma_wait3A_99, %dma_wait3A_100, %dma_wait3A_105, %dma_wait3A_106] : memref<64x32x32x768xf32, #tpu.memory_space<hbm>> -> memref<1x1x32x768xf32, #tpu.memory_space<hbm>>
      %dma_wait3A_108 = tpu.memref_squeeze %dma_wait3A_107 : memref<1x1x32x768xf32, #tpu.memory_space<hbm>> -> memref<32x768xf32, #tpu.memory_space<hbm>>
      tpu.wait_dma2 semaphore(%arg11 : memref<!tpu.dma_semaphore, #tpu.memory_space<semaphore_mem>>) src(%dma_wait3A_108 : memref<32x768xf32, #tpu.memory_space<hbm>>) dst(%arg6 : memref<32x768xf32, #tpu.memory_space<vmem>>)
      %scan3A_109 = arith.constant 0 : i32
      %scan3A_110 = arith.constant 0 : i32
      %scan3A_111 = arith.constant 32 : i32
      %scan3A_112 = arith.addi %scan3A_110, %scan3A_111 : i32
      %scan3A_113 = arith.constant 1 : i32
      scf.for %scan3A_153 = %scan3A_110 to %scan3A_112 step %scan3A_113  : i32 {
        %parallel_loop3A = arith.constant 0 : i32
        %parallel_loop3A_154 = arith.constant 768 : i32
        %parallel_loop3A_155 = arith.constant 16 : i32
        scf.for %parallel_loop3A_156 = %parallel_loop3A to %parallel_loop3A_154 step %parallel_loop3A_155  : i32 {
          %parallel_loop3A_157 = arith.index_cast %scan3A_153 : i32 to index
          %parallel_loop3A_158 = arith.index_cast %parallel_loop3A_156 : i32 to index
          %parallel_loop3A_159 = tpu.vector_load %arg6[%parallel_loop3A_157, %parallel_loop3A_158] {strides = array<i32>} : memref<32x768xf32, #tpu.memory_space<vmem>>, vector<1x16xf32>,
          %parallel_loop3A_160 = vector.shape_cast %parallel_loop3A_159 : vector<1x16xf32> to vector<16xf32>
          %parallel_loop3A_161 = arith.index_cast %scan3A_153 : i32 to index
          %parallel_loop3A_162 = arith.index_cast %parallel_loop3A_156 : i32 to index
          %parallel_loop3A_163 = tpu.vector_load %arg8[%parallel_loop3A_161, %parallel_loop3A_162] {strides = array<i32>} : memref<32x768xf32, #tpu.memory_space<vmem>>, vector<1x16xf32>,
          %parallel_loop3A_164 = vector.shape_cast %parallel_loop3A_163 : vector<1x16xf32> to vector<16xf32>
          %parallel_loop3A_165 = vector.shape_cast %parallel_loop3A_160 : vector<16xf32> to vector<1x16xf32>
          tpu.vector_store %arg8[%parallel_loop3A_161, %parallel_loop3A_162], %parallel_loop3A_165 {add = true, strides = array<i32>} : memref<32x768xf32, #tpu.memory_space<vmem>>, vector<1x16xf32>,
        } {sc.loop_unroll_factor = 8 : i64, sc.parallel_access}
      }
      %scan3A_114 = arith.constant 32 : i32
      %add3A_115 = arith.constant 1 : i32
      %add3A_116 = arith.addi %scan3A_48, %add3A_115 : i32
      %mul3A_117 = arith.constant 4 : i32
      %mul3A_118 = arith.muli %add3A_116, %mul3A_117 : i32
      %add3A_119 = arith.constant 2 : i32
      %add3A_120 = arith.addi %mul3A_118, %add3A_119 : i32
      %lt3A_121 = arith.constant 24 : i32
      %lt3A_122 = arith.cmpi slt, %add3A_120, %lt3A_121 : i32
      %convert_element_type3A_123 = arith.extui %lt3A_122 : i1 to i32
      %cond3A_124 = arith.constant 0 : i32
      %cond3A_125 = arith.cmpi ne, %convert_element_type3A_123, %cond3A_124 : i32
      scf.if %cond3A_125 {
        %add3A_153 = arith.constant 40 : i32
        %add3A_154 = arith.addi %add3A_153, %add3A_120 : i32
        %dma_start3A_155 = arith.constant 0 : i32
        %dma_start3A_156 = arith.constant 0 : i32
        %dma_start3A_157 = tpu.memref_slice %arg2[%add3A_154, %add3A, %dma_start3A_155, %dma_start3A_156] : memref<64x32x32x768xf32, #tpu.memory_space<hbm>> -> memref<1x1x32x768xf32, #tpu.memory_space<hbm>>
        %dma_start3A_158 = tpu.memref_squeeze %dma_start3A_157 : memref<1x1x32x768xf32, #tpu.memory_space<hbm>> -> memref<32x768xf32, #tpu.memory_space<hbm>>
        %dma_start3A_159 = arith.constant 0 : i32
        %dma_start3A_160 = arith.constant 0 : i32
        %dma_start3A_161 = tpu.memref_slice %arg2[%add3A_154, %add3A, %dma_start3A_159, %dma_start3A_160] : memref<64x32x32x768xf32, #tpu.memory_space<hbm>> -> memref<1x1x32x768xf32, #tpu.memory_space<hbm>>
        %dma_start3A_162 = tpu.memref_squeeze %dma_start3A_161 : memref<1x1x32x768xf32, #tpu.memory_space<hbm>> -> memref<32x768xf32, #tpu.memory_space<hbm>>
        tpu.enqueue_dma source(%dma_start3A_162 : memref<32x768xf32, #tpu.memory_space<hbm>>) target(%arg6 : memref<32x768xf32, #tpu.memory_space<vmem>>) target_semaphore(%arg11 : memref<!tpu.dma_semaphore, #tpu.memory_space<semaphore_mem>>)
      } else {
      }
      %dma_wait3A_126 = arith.constant 0 : i32
      %dma_wait3A_127 = arith.constant 0 : i32
      %dma_wait3A_128 = arith.constant 0 : i32
      %dma_wait3A_129 = arith.constant 0 : i32
      %dma_wait3A_130 = tpu.memref_slice %arg2[%dma_wait3A_126, %dma_wait3A_127, %dma_wait3A_128, %dma_wait3A_129] : memref<64x32x32x768xf32, #tpu.memory_space<hbm>> -> memref<1x1x32x768xf32, #tpu.memory_space<hbm>>
      %dma_wait3A_131 = tpu.memref_squeeze %dma_wait3A_130 : memref<1x1x32x768xf32, #tpu.memory_space<hbm>> -> memref<32x768xf32, #tpu.memory_space<hbm>>
      %dma_wait3A_132 = arith.constant 0 : i32
      %dma_wait3A_133 = arith.constant 0 : i32
      %dma_wait3A_134 = tpu.memref_slice %arg2[%dma_wait3A_126, %dma_wait3A_127, %dma_wait3A_132, %dma_wait3A_133] : memref<64x32x32x768xf32, #tpu.memory_space<hbm>> -> memref<1x1x32x768xf32, #tpu.memory_space<hbm>>
      %dma_wait3A_135 = tpu.memref_squeeze %dma_wait3A_134 : memref<1x1x32x768xf32, #tpu.memory_space<hbm>> -> memref<32x768xf32, #tpu.memory_space<hbm>>
      tpu.wait_dma2 semaphore(%arg12 : memref<!tpu.dma_semaphore, #tpu.memory_space<semaphore_mem>>) src(%dma_wait3A_135 : memref<32x768xf32, #tpu.memory_space<hbm>>) dst(%arg7 : memref<32x768xf32, #tpu.memory_space<vmem>>)
      %scan3A_136 = arith.constant 0 : i32
      %scan3A_137 = arith.constant 0 : i32
      %scan3A_138 = arith.constant 32 : i32
      %scan3A_139 = arith.addi %scan3A_137, %scan3A_138 : i32
      %scan3A_140 = arith.constant 1 : i32
      scf.for %scan3A_153 = %scan3A_137 to %scan3A_139 step %scan3A_140  : i32 {
        %parallel_loop3A = arith.constant 0 : i32
        %parallel_loop3A_154 = arith.constant 768 : i32
        %parallel_loop3A_155 = arith.constant 16 : i32
        scf.for %parallel_loop3A_156 = %parallel_loop3A to %parallel_loop3A_154 step %parallel_loop3A_155  : i32 {
          %parallel_loop3A_157 = arith.index_cast %scan3A_153 : i32 to index
          %parallel_loop3A_158 = arith.index_cast %parallel_loop3A_156 : i32 to index
          %parallel_loop3A_159 = tpu.vector_load %arg7[%parallel_loop3A_157, %parallel_loop3A_158] {strides = array<i32>} : memref<32x768xf32, #tpu.memory_space<vmem>>, vector<1x16xf32>,
          %parallel_loop3A_160 = vector.shape_cast %parallel_loop3A_159 : vector<1x16xf32> to vector<16xf32>
          %parallel_loop3A_161 = arith.index_cast %scan3A_153 : i32 to index
          %parallel_loop3A_162 = arith.index_cast %parallel_loop3A_156 : i32 to index
          %parallel_loop3A_163 = tpu.vector_load %arg8[%parallel_loop3A_161, %parallel_loop3A_162] {strides = array<i32>} : memref<32x768xf32, #tpu.memory_space<vmem>>, vector<1x16xf32>,
          %parallel_loop3A_164 = vector.shape_cast %parallel_loop3A_163 : vector<1x16xf32> to vector<16xf32>
          %parallel_loop3A_165 = vector.shape_cast %parallel_loop3A_160 : vector<16xf32> to vector<1x16xf32>
          tpu.vector_store %arg8[%parallel_loop3A_161, %parallel_loop3A_162], %parallel_loop3A_165 {add = true, strides = array<i32>} : memref<32x768xf32, #tpu.memory_space<vmem>>, vector<1x16xf32>,
        } {sc.loop_unroll_factor = 8 : i64, sc.parallel_access}
      }
      %scan3A_141 = arith.constant 32 : i32
      %add3A_142 = arith.constant 1 : i32
      %add3A_143 = arith.addi %scan3A_48, %add3A_142 : i32
      %mul3A_144 = arith.constant 4 : i32
      %mul3A_145 = arith.muli %add3A_143, %mul3A_144 : i32
      %add3A_146 = arith.constant 3 : i32
      %add3A_147 = arith.addi %mul3A_145, %add3A_146 : i32
      %lt3A_148 = arith.constant 24 : i32
      %lt3A_149 = arith.cmpi slt, %add3A_147, %lt3A_148 : i32
      %convert_element_type3A_150 = arith.extui %lt3A_149 : i1 to i32
      %cond3A_151 = arith.constant 0 : i32
      %cond3A_152 = arith.cmpi ne, %convert_element_type3A_150, %cond3A_151 : i32
      scf.if %cond3A_152 {
        %add3A_153 = arith.constant 40 : i32
        %add3A_154 = arith.addi %add3A_153, %add3A_147 : i32
        %dma_start3A_155 = arith.constant 0 : i32
        %dma_start3A_156 = arith.constant 0 : i32
        %dma_start3A_157 = tpu.memref_slice %arg2[%add3A_154, %add3A, %dma_start3A_155, %dma_start3A_156] : memref<64x32x32x768xf32, #tpu.memory_space<hbm>> -> memref<1x1x32x768xf32, #tpu.memory_space<hbm>>
        %dma_start3A_158 = tpu.memref_squeeze %dma_start3A_157 : memref<1x1x32x768xf32, #tpu.memory_space<hbm>> -> memref<32x768xf32, #tpu.memory_space<hbm>>
        %dma_start3A_159 = arith.constant 0 : i32
        %dma_start3A_160 = arith.constant 0 : i32
        %dma_start3A_161 = tpu.memref_slice %arg2[%add3A_154, %add3A, %dma_start3A_159, %dma_start3A_160] : memref<64x32x32x768xf32, #tpu.memory_space<hbm>> -> memref<1x1x32x768xf32, #tpu.memory_space<hbm>>
        %dma_start3A_162 = tpu.memref_squeeze %dma_start3A_161 : memref<1x1x32x768xf32, #tpu.memory_space<hbm>> -> memref<32x768xf32, #tpu.memory_space<hbm>>
        tpu.enqueue_dma source(%dma_start3A_162 : memref<32x768xf32, #tpu.memory_space<hbm>>) target(%arg7 : memref<32x768xf32, #tpu.memory_space<vmem>>) target_semaphore(%arg12 : memref<!tpu.dma_semaphore, #tpu.memory_space<semaphore_mem>>)
      } else {
      }
    }
    %scan3A_47 = arith.constant 6 : i32
    "tpu.region"() ({
      %run_scoped3A = tpu.sem_alloc : memref<!tpu.dma_semaphore, #tpu.memory_space<semaphore_mem>>
      %dma_start3A_48 = arith.constant 0 : i32
      %dma_start3A_49 = arith.constant 0 : i32
      %dma_start3A_50 = tpu.memref_slice %arg3[%add3A, %dma_start3A_48, %dma_start3A_49] : memref<32x32x768xf32, #tpu.memory_space<hbm>> -> memref<1x32x768xf32, #tpu.memory_space<hbm>>
      %dma_start3A_51 = tpu.memref_squeeze %dma_start3A_50 : memref<1x32x768xf32, #tpu.memory_space<hbm>> -> memref<32x768xf32, #tpu.memory_space<hbm>>
      %dma_start3A_52 = arith.constant 0 : i32
      %dma_start3A_53 = arith.constant 0 : i32
      %dma_start3A_54 = tpu.memref_slice %arg3[%add3A, %dma_start3A_52, %dma_start3A_53] : memref<32x32x768xf32, #tpu.memory_space<hbm>> -> memref<1x32x768xf32, #tpu.memory_space<hbm>>
      %dma_start3A_55 = tpu.memref_squeeze %dma_start3A_54 : memref<1x32x768xf32, #tpu.memory_space<hbm>> -> memref<32x768xf32, #tpu.memory_space<hbm>>
      tpu.enqueue_dma source(%arg8 : memref<32x768xf32, #tpu.memory_space<vmem>>) target(%dma_start3A_55 : memref<32x768xf32, #tpu.memory_space<hbm>>) target_semaphore(%run_scoped3A : memref<!tpu.dma_semaphore, #tpu.memory_space<semaphore_mem>>)
      %dma_wait3A = arith.constant 0 : i32
      %dma_wait3A_56 = arith.constant 0 : i32
      %dma_wait3A_57 = tpu.memref_slice %arg3[%add3A, %dma_wait3A, %dma_wait3A_56] : memref<32x32x768xf32, #tpu.memory_space<hbm>> -> memref<1x32x768xf32, #tpu.memory_space<hbm>>
      %dma_wait3A_58 = tpu.memref_squeeze %dma_wait3A_57 : memref<1x32x768xf32, #tpu.memory_space<hbm>> -> memref<32x768xf32, #tpu.memory_space<hbm>>
      %dma_wait3A_59 = arith.constant 0 : i32
      %dma_wait3A_60 = arith.constant 0 : i32
      %dma_wait3A_61 = tpu.memref_slice %arg3[%add3A, %dma_wait3A_59, %dma_wait3A_60] : memref<32x32x768xf32, #tpu.memory_space<hbm>> -> memref<1x32x768xf32, #tpu.memory_space<hbm>>
      %dma_wait3A_62 = tpu.memref_squeeze %dma_wait3A_61 : memref<1x32x768xf32, #tpu.memory_space<hbm>> -> memref<32x768xf32, #tpu.memory_space<hbm>>
      tpu.wait_dma2 semaphore(%run_scoped3A : memref<!tpu.dma_semaphore, #tpu.memory_space<semaphore_mem>>) src(%arg8 : memref<32x768xf32, #tpu.memory_space<vmem>>) dst(%dma_wait3A_62 : memref<32x768xf32, #tpu.memory_space<hbm>>)
      tpu.yield
    }) : () -> ()
    return
  }
}

module attributes {stable_mosaic.version = 14 : i64} {
  func.func @_combine2_body(%arg0: memref<32x32x768xf32, #tpu.memory_space<vmem>>, %arg1: memref<32x32x768xf32, #tpu.memory_space<vmem>>, %arg2: memref<32x768xf32, #tpu.memory_space<vmem>>, %arg3: memref<32x768xf32, #tpu.memory_space<vmem>>, %arg4: memref<1x768xf32, #tpu.memory_space<vmem>>, %arg5: memref<1x768xf32, #tpu.memory_space<vmem>>, %arg6: memref<1x768xf32, #tpu.memory_space<vmem>>, %arg7: memref<32x32x768xf32, #tpu.memory_space<vmem>>) attributes {dimension_semantics = [], scalar_prefetch = 0 : i64, scratch_operands = 0 : i64, tpu.core_type = #tpu.core_type<tc>} {
    %get3A = arith.constant 0 : index
    %get3A_0 = arith.constant 0 : index
    %get3A_1 = arith.constant 0 : index
    %get3A_2 = vector.load %arg0[%get3A, %get3A_0, %get3A_1] : memref<32x32x768xf32, #tpu.memory_space<vmem>>, vector<32x32x768xf32>
    %get3A_3 = arith.constant 0 : index
    %get3A_4 = arith.constant 0 : index
    %get3A_5 = arith.constant 0 : index
    %get3A_6 = vector.load %arg1[%get3A_3, %get3A_4, %get3A_5] : memref<32x32x768xf32, #tpu.memory_space<vmem>>, vector<32x32x768xf32>
    %add3A = arith.addf %get3A_2, %get3A_6 : vector<32x32x768xf32>
    %mul3A = arith.constant 1.562500e-02 : f32
    %mul3A_7 = vector.broadcast %mul3A : f32 to vector<32x32x768xf32>
    %mul3A_8 = arith.mulf %add3A, %mul3A_7 : vector<32x32x768xf32>
    %get3A_9 = arith.constant 0 : index
    %get3A_10 = arith.constant 0 : index
    %get3A_11 = vector.load %arg2[%get3A_9, %get3A_10] : memref<32x768xf32, #tpu.memory_space<vmem>>, vector<32x768xf32>
    %broadcast_in_dim3A = vector.shape_cast %get3A_11 : vector<32x768xf32> to vector<32x1x768xf32>
    %add3A_12 = vector.broadcast %broadcast_in_dim3A : vector<32x1x768xf32> to vector<32x32x768xf32>
    %add3A_13 = arith.addf %mul3A_8, %add3A_12 : vector<32x32x768xf32>
    %get3A_14 = arith.constant 0 : index
    %get3A_15 = arith.constant 0 : index
    %get3A_16 = vector.load %arg3[%get3A_14, %get3A_15] : memref<32x768xf32, #tpu.memory_space<vmem>>, vector<32x768xf32>
    %broadcast_in_dim3A_17 = vector.shape_cast %get3A_16 : vector<32x768xf32> to vector<1x32x768xf32>
    %add3A_18 = vector.broadcast %broadcast_in_dim3A_17 : vector<1x32x768xf32> to vector<32x32x768xf32>
    %add3A_19 = arith.addf %add3A_13, %add3A_18 : vector<32x32x768xf32>
    %get3A_20 = arith.constant 0 : index
    %get3A_21 = arith.constant 0 : index
    %get3A_22 = vector.load %arg4[%get3A_20, %get3A_21] : memref<1x768xf32, #tpu.memory_space<vmem>>, vector<1x768xf32>
    %broadcast_in_dim3A_23 = vector.shape_cast %get3A_22 : vector<1x768xf32> to vector<1x1x768xf32>
    %add3A_24 = vector.broadcast %broadcast_in_dim3A_23 : vector<1x1x768xf32> to vector<32x32x768xf32>
    %add3A_25 = arith.addf %add3A_19, %add3A_24 : vector<32x32x768xf32>
    %reduce_sum3A = arith.constant dense<0.000000e+00> : vector<32x32xf32>
    %reduce_sum3A_26 = vector.multi_reduction <add>, %add3A_25, %reduce_sum3A [2] : vector<32x32x768xf32> to vector<32x32xf32>
    %broadcast_in_dim3A_27 = vector.shape_cast %reduce_sum3A_26 : vector<32x32xf32> to vector<32x32x1xf32>
    %div3A = arith.constant 7.680000e+02 : f32
    %div3A_28 = vector.broadcast %div3A : f32 to vector<32x32x1xf32>
    %div3A_29 = arith.divf %broadcast_in_dim3A_27, %div3A_28 : vector<32x32x1xf32>
    %sub3A = vector.broadcast %div3A_29 : vector<32x32x1xf32> to vector<32x32x768xf32>
    %sub3A_30 = arith.subf %add3A_25, %sub3A : vector<32x32x768xf32>
    %square3A = arith.mulf %sub3A_30, %sub3A_30 : vector<32x32x768xf32>
    %reduce_sum3A_31 = arith.constant dense<0.000000e+00> : vector<32x32xf32>
    %reduce_sum3A_32 = vector.multi_reduction <add>, %square3A, %reduce_sum3A_31 [2] : vector<32x32x768xf32> to vector<32x32xf32>
    %broadcast_in_dim3A_33 = vector.shape_cast %reduce_sum3A_32 : vector<32x32xf32> to vector<32x32x1xf32>
    %div3A_34 = arith.constant 7.680000e+02 : f32
    %div3A_35 = vector.broadcast %div3A_34 : f32 to vector<32x32x1xf32>
    %div3A_36 = arith.divf %broadcast_in_dim3A_33, %div3A_35 : vector<32x32x1xf32>
    %sub3A_37 = vector.broadcast %div3A_29 : vector<32x32x1xf32> to vector<32x32x768xf32>
    %sub3A_38 = arith.subf %add3A_25, %sub3A_37 : vector<32x32x768xf32>
    %add3A_39 = arith.constant 9.99999996E-13 : f32
    %add3A_40 = vector.broadcast %add3A_39 : f32 to vector<32x32x1xf32>
    %add3A_41 = arith.addf %div3A_36, %add3A_40 : vector<32x32x1xf32>
    %rsqrt3A = math.rsqrt %add3A_41 : vector<32x32x1xf32>
    %mul3A_42 = vector.broadcast %rsqrt3A : vector<32x32x1xf32> to vector<32x32x768xf32>
    %mul3A_43 = arith.mulf %sub3A_38, %mul3A_42 : vector<32x32x768xf32>
    %get3A_44 = arith.constant 0 : index
    %get3A_45 = arith.constant 0 : index
    %get3A_46 = vector.load %arg5[%get3A_44, %get3A_45] : memref<1x768xf32, #tpu.memory_space<vmem>>, vector<1x768xf32>
    %broadcast_in_dim3A_47 = vector.shape_cast %get3A_46 : vector<1x768xf32> to vector<1x1x768xf32>
    %mul3A_48 = vector.broadcast %broadcast_in_dim3A_47 : vector<1x1x768xf32> to vector<32x32x768xf32>
    %mul3A_49 = arith.mulf %mul3A_43, %mul3A_48 : vector<32x32x768xf32>
    %get3A_50 = arith.constant 0 : index
    %get3A_51 = arith.constant 0 : index
    %get3A_52 = vector.load %arg6[%get3A_50, %get3A_51] : memref<1x768xf32, #tpu.memory_space<vmem>>, vector<1x768xf32>
    %broadcast_in_dim3A_53 = vector.shape_cast %get3A_52 : vector<1x768xf32> to vector<1x1x768xf32>
    %add3A_54 = vector.broadcast %broadcast_in_dim3A_53 : vector<1x1x768xf32> to vector<32x32x768xf32>
    %add3A_55 = arith.addf %mul3A_49, %add3A_54 : vector<32x32x768xf32>
    %swap3A = arith.constant 0 : index
    %swap3A_56 = arith.constant 0 : index
    %swap3A_57 = arith.constant 0 : index
    %swap3A_58 = vector.load %arg7[%swap3A, %swap3A_56, %swap3A_57] : memref<32x32x768xf32, #tpu.memory_space<vmem>>, vector<32x32x768xf32>
    tpu.vector_store %arg7[%swap3A, %swap3A_56, %swap3A_57], %add3A_55 {strides = array<i32>} : memref<32x32x768xf32, #tpu.memory_space<vmem>>, vector<32x32x768xf32>,
    return
  }
}

module attributes {stable_mosaic.version = 14 : i64} {
  func.func @_tc_sum_body(%arg0: i32, %arg1: memref<4x32x32x768xf32, #tpu.memory_space<vmem>>, %arg2: memref<32x32x768xf32, #tpu.memory_space<vmem>>, %arg3: memref<32x32x768xf32, #tpu.memory_space<vmem>>) attributes {dimension_semantics = [#tpu.dimension_semantics<arbitrary>], iteration_bounds = array<i64: 10>, scalar_prefetch = 0 : i64, scratch_operands = 1 : i64, tpu.core_type = #tpu.core_type<tc>, window_params = [{transform_indices = @transform_0, window_bounds = array<i64: 4, 32, 32, 768>}, {pipeline_mode = #tpu.pipeline_mode<synchronous>, transform_indices = @transform_1, window_bounds = array<i64: 32, 32, 768>}]} {
    %get3A = arith.constant 0 : index
    %get3A_0 = arith.constant 0 : index
    %get3A_1 = arith.constant 0 : index
    %get3A_2 = arith.constant 0 : index
    %get3A_3 = vector.load %arg1[%get3A, %get3A_0, %get3A_1, %get3A_2] : memref<4x32x32x768xf32, #tpu.memory_space<vmem>>, vector<1x32x32x768xf32>
    %get3A_4 = vector.shape_cast %get3A_3 : vector<1x32x32x768xf32> to vector<32x32x768xf32>
    %get3A_5 = arith.constant 1 : index
    %get3A_6 = arith.constant 0 : index
    %get3A_7 = arith.constant 0 : index
    %get3A_8 = arith.constant 0 : index
    %get3A_9 = vector.load %arg1[%get3A_5, %get3A_6, %get3A_7, %get3A_8] : memref<4x32x32x768xf32, #tpu.memory_space<vmem>>, vector<1x32x32x768xf32>
    %get3A_10 = vector.shape_cast %get3A_9 : vector<1x32x32x768xf32> to vector<32x32x768xf32>
    %add3A = arith.addf %get3A_4, %get3A_10 : vector<32x32x768xf32>
    %get3A_11 = arith.constant 2 : index
    %get3A_12 = arith.constant 0 : index
    %get3A_13 = arith.constant 0 : index
    %get3A_14 = arith.constant 0 : index
    %get3A_15 = vector.load %arg1[%get3A_11, %get3A_12, %get3A_13, %get3A_14] : memref<4x32x32x768xf32, #tpu.memory_space<vmem>>, vector<1x32x32x768xf32>
    %get3A_16 = vector.shape_cast %get3A_15 : vector<1x32x32x768xf32> to vector<32x32x768xf32>
    %add3A_17 = arith.addf %add3A, %get3A_16 : vector<32x32x768xf32>
    %get3A_18 = arith.constant 3 : index
    %get3A_19 = arith.constant 0 : index
    %get3A_20 = arith.constant 0 : index
    %get3A_21 = arith.constant 0 : index
    %get3A_22 = vector.load %arg1[%get3A_18, %get3A_19, %get3A_20, %get3A_21] : memref<4x32x32x768xf32, #tpu.memory_space<vmem>>, vector<1x32x32x768xf32>
    %get3A_23 = vector.shape_cast %get3A_22 : vector<1x32x32x768xf32> to vector<32x32x768xf32>
    %add3A_24 = arith.addf %add3A_17, %get3A_23 : vector<32x32x768xf32>
    %eq3A = arith.constant 0 : i32
    %eq3A_25 = arith.cmpi eq, %arg0, %eq3A : i32
    %convert_element_type3A = arith.extui %eq3A_25 : i1 to i32
    %cond3A = arith.constant 0 : i32
    %cond3A_26 = arith.cmpi ne, %convert_element_type3A, %cond3A : i32
    scf.if %cond3A_26 {
      %swap3A = arith.constant 0 : index
      %swap3A_36 = arith.constant 0 : index
      %swap3A_37 = arith.constant 0 : index
      %swap3A_38 = vector.load %arg3[%swap3A, %swap3A_36, %swap3A_37] : memref<32x32x768xf32, #tpu.memory_space<vmem>>, vector<32x32x768xf32>
      tpu.vector_store %arg3[%swap3A, %swap3A_36, %swap3A_37], %add3A_24 {strides = array<i32>} : memref<32x32x768xf32, #tpu.memory_space<vmem>>, vector<32x32x768xf32>,
    } else {
    }
    %gt3A = arith.constant 0 : i32
    %gt3A_27 = arith.cmpi sgt, %arg0, %gt3A : i32
    %convert_element_type3A_28 = arith.extui %gt3A_27 : i1 to i32
    %cond3A_29 = arith.constant 0 : i32
    %cond3A_30 = arith.cmpi ne, %convert_element_type3A_28, %cond3A_29 : i32
    scf.if %cond3A_30 {
      %get3A_36 = arith.constant 0 : index
      %get3A_37 = arith.constant 0 : index
      %get3A_38 = arith.constant 0 : index
      %get3A_39 = vector.load %arg3[%get3A_36, %get3A_37, %get3A_38] : memref<32x32x768xf32, #tpu.memory_space<vmem>>, vector<32x32x768xf32>
      %add3A_40 = arith.addf %get3A_39, %add3A_24 : vector<32x32x768xf32>
      %swap3A = arith.constant 0 : index
      %swap3A_41 = arith.constant 0 : index
      %swap3A_42 = arith.constant 0 : index
      %swap3A_43 = vector.load %arg3[%swap3A, %swap3A_41, %swap3A_42] : memref<32x32x768xf32, #tpu.memory_space<vmem>>, vector<32x32x768xf32>
      tpu.vector_store %arg3[%swap3A, %swap3A_41, %swap3A_42], %add3A_40 {strides = array<i32>} : memref<32x32x768xf32, #tpu.memory_space<vmem>>, vector<32x32x768xf32>,
    } else {
    }
    %eq3A_31 = arith.constant 9 : i32
    %eq3A_32 = arith.cmpi eq, %arg0, %eq3A_31 : i32
    %convert_element_type3A_33 = arith.extui %eq3A_32 : i1 to i32
    %cond3A_34 = arith.constant 0 : i32
    %cond3A_35 = arith.cmpi ne, %convert_element_type3A_33, %cond3A_34 : i32
    scf.if %cond3A_35 {
      %get3A_36 = arith.constant 0 : index
      %get3A_37 = arith.constant 0 : index
      %get3A_38 = arith.constant 0 : index
      %get3A_39 = vector.load %arg3[%get3A_36, %get3A_37, %get3A_38] : memref<32x32x768xf32, #tpu.memory_space<vmem>>, vector<32x32x768xf32>
      %swap3A = arith.constant 0 : index
      %swap3A_40 = arith.constant 0 : index
      %swap3A_41 = arith.constant 0 : index
      %swap3A_42 = vector.load %arg2[%swap3A, %swap3A_40, %swap3A_41] : memref<32x32x768xf32, #tpu.memory_space<vmem>>, vector<32x32x768xf32>
      tpu.vector_store %arg2[%swap3A, %swap3A_40, %swap3A_41], %get3A_39 {strides = array<i32>} : memref<32x32x768xf32, #tpu.memory_space<vmem>>, vector<32x32x768xf32>,
    } else {
    }
    return
  }
  func.func @transform_0(%arg0: i32) -> (i32, i32, i32, i32) {
    %c0_i32 = arith.constant 0 : i32
    %c0_i32_0 = arith.constant 0 : i32
    %c0_i32_1 = arith.constant 0 : i32
    %c0_i32_2 = arith.constant 0 : i32
    return %arg0, %c0_i32, %c0_i32_0, %c0_i32_1 : i32, i32, i32, i32
  }
  func.func @transform_1(%arg0: i32) -> (i32, i32, i32) {
    %c0_i32 = arith.constant 0 : i32
    %c0_i32_0 = arith.constant 0 : i32
    %c0_i32_1 = arith.constant 0 : i32
    %c0_i32_2 = arith.constant 0 : i32
    return %c0_i32, %c0_i32_0, %c0_i32_1 : i32, i32, i32
  }
}

</mosaic_0001>

<sc_bundles>
// kernel: kernel.5.cloned.1.call-start
scs
__scs_entry_jumppad:
0x0: {  	(pc) =	sbr.rel $0x88, $3  }
0x1: {  	(tag) =	ssettag $0x0;
	lr =	simm.s32 $0x1  }
0x2: {  	[smem:$0x3F9B] =	sst lr;
	_ =	strace $0xD0000000  }
0x3: {  	_ = 	snop  }
0x4: {  	_ = 	snop  }
0x5: {  	_ = 	snop  }
0x6: {  	_ = 	snop  }
0x7: {  	_ = 	snop  }
__scs_overlays_trampoline_lowered:
0x8: {  	[smem:$0x3FAA] =	sst s0  }
0x9: {  	[smem:$0x3FAB] =	sst s1  }
0xa: {  	[smem:$0x3FAC] =	sst s2  }
0xb: {  	[smem:$0x3FAD] =	sst s3  }
0xc: {  	[smem:$0x3FAE] =	sst s4  }
0xd: {  	[smem:$0x3FAF] =	sst s5  }
0xe: {  	[smem:$0x3FB0] =	sst s6  }
0xf: {  	[smem:$0x3FB1] =	sst s7  }
0x10: {  	[smem:$0x3FB2] =	sst s8  }
0x11: {  	[smem:$0x3FB3] =	sst s9;
	s0 =	simm.s32 @!p0 $0x0  }
0x12: {  	s1 =	sld [smem:$0x3F99];
	s0 =	simm.s32 @p0 $0x1  }
0x13: {  	[smem:$0x3FB4] =	sst s0;
	s0 =	simm.s32 @!p1 $0x0  }
0x14: {  	s2 =	sld [smem:$0x3F98];
	s0 =	simm.s32 @p1 $0x1  }
0x15: {  	[smem:$0x3FB5] =	sst s0;
	s0 =	simm.s32 @!p2 $0x0  }
0x16: {  	s3 =	sld [smem:$0x3FDB];
	s0 =	simm.s32 @p2 $0x1  }
0x17: {  	s4 =	simm.s32 $0x1BF5;
	[smem:$0x3FB7] =	sst s0  }
0x18: {  	s0 =	sld [smem:$0x3F9A];
	_ =	swait.ge [sflag:s4], $0x0  }
0x19: {  	s7 =	sld [smem:$0x3F9B]  }
0x1a: {  	s8 =	sadd.s32 $0xFFFFE003, lr  }
0x1b: {  	s9 =	sadd.s32 $0xFFFFFEF7, lr;
	s5 =	simm.s32 $0xFFFFFFFF;
	p2 =	slt.u32 s8, $0xFFFFF086  }
0x1c: {  	p1 =	slt.u32 s9, $0xF7A;
	s5 =	simm.s32 @!p2 $0x0  }
0x1d: {  	s5 =	simm.s32 @p1 $0x1;
	p0 =	seq.s32 s7, s2  }
0x1e: {  	s7 =	smul.u32 @!p0 $0xF7A, s2;
	p2 =	seq.s32 @!p0 s5, $0x0  }
0x1f: {  	s9 =	smul.u32 $0xF7A, s1;
	s8 =	simm.s32 @!p0 $0x1BF5;
	p2 =	por !p2, p0  }
0x20: {  	[sflag:s8] =	ssyncset.s32 @!p0 $0xFFFFF086;
	s6 =	sadd.s32 @!p0 s3, s7;
	s7 =	simm.s32 @!p0 $0x108  }
0x21: {  	s3 =	sadd.s32 s3, s9;
	s6 =	sadd.s32 @!p0 $0x88, s6;
	s7 =	simm.s32 @p2 $0x1082  }
0x22: {  	[simem:s7], [sflag:s8] =	dma.local @!p0 [hbm:s6], $0xF7A  }
0x23: {  	s9 =	sor.u32 $0xD0000000, s2;
	s6 =	simm.s32 $0x108;
	_ =	swait.ge @!p0 [sflag:s8], $0x0  }
0x24: {  	s3 =	sadd.s32 $0x88, s3;
	s6 =	simm.s32 @!p1 $0x1082;
	[sflag:s4] =	ssyncset.s32 $0xFFFFF086  }
0x25: {  	[simem:s6], [sflag:s4] =	dma.local [hbm:s3], $0xF7A  }
0x26: {  	[smem:$0x3F9B] =	sst s1;
	(tag) =	ssettag s2;
	_ =	strace s9  }
0x27: {  	s1 =	sld [smem:$0x3FAB]  }
0x28: {  	s2 =	sld [smem:$0x3FAC]  }
0x29: {  	s4 =	sld [smem:$0x3FAE]  }
0x2a: {  	p0 =	seq.s32 s5, $0x0;
	s5 =	sld [smem:$0x3FAF]  }
0x2b: {  	s6 =	sld [smem:$0x3FB0]  }
0x2c: {  	s7 =	sld [smem:$0x3FB1]  }
0x2d: {  	s3 =	simm.s32 $0x108;
	s8 =	sld [smem:$0x3FB2]  }
0x2e: {  	s3 =	simm.s32 @!p0 $0x1082;
	s9 =	sld [smem:$0x3FB3]  }
0x2f: {  	lr =	sadd.s32 s0, s3;
	s0 =	sld [smem:$0x3FAA]  }
0x30: {  	s3 =	sld [smem:$0x3FAD]  }
0x31: {  	[smem:$0x3FB6] =	sst s10  }
0x32: {  	s10 =	sld [smem:$0x3FB4];
	_ =	sdelay $0x3  }
0x33: {  	p0 =	seq.s32 s10, $0x1;
	s10 =	sld [smem:$0x3FB6];
	_ =	sdelay $0x3  }
0x34: {  	[smem:$0x3FB6] =	sst s10  }
0x35: {  	s10 =	sld [smem:$0x3FB5];
	_ =	sdelay $0x3  }
0x36: {  	p1 =	seq.s32 s10, $0x1;
	s10 =	sld [smem:$0x3FB6];
	_ =	sdelay $0x3  }
0x37: {  	[smem:$0x3FB6] =	sst s10  }
0x38: {  	s10 =	sld [smem:$0x3FB7]  }
0x39: {  	_ = 	snop;
	(pc) =	sbr.ind lr, $3  }
0x3a: {  	_ = 	snop  }
0x3b: {  	_ = 	snop  }
0x3c: {  	p2 =	seq.s32 s10, $0x1;
	s10 =	sld [smem:$0x3FB6]  }
0x3d: {  	_ =	shalt  }
0x3e: {  	_ =	shalt  }
0x3f: {  	_ =	shalt  }
0x40: {  	_ =	shalt  }
0x41: {  	_ =	shalt  }
0x42: {  	_ =	shalt  }
0x43: {  	_ =	shalt  }
0x44: {  	_ =	shalt  }
0x45: {  	_ =	shalt  }
0x46: {  	_ =	shalt  }
0x47: {  	_ =	shalt  }
0x48: {  	_ =	shalt  }
0x49: {  	_ =	shalt  }
0x4a: {  	_ =	shalt  }
0x4b: {  	_ =	shalt  }
0x4c: {  	_ =	shalt  }
0x4d: {  	_ =	shalt  }
0x4e: {  	_ =	shalt  }
0x4f: {  	_ =	shalt  }
0x50: {  	_ =	shalt  }
0x51: {  	_ =	shalt  }
0x52: {  	_ =	shalt  }
0x53: {  	_ =	shalt  }
0x54: {  	_ =	shalt  }
0x55: {  	_ =	shalt  }
0x56: {  	_ =	shalt  }
0x57: {  	_ =	shalt  }
0x58: {  	_ =	shalt  }
0x59: {  	_ =	shalt  }
0x5a: {  	_ =	shalt  }
0x5b: {  	_ =	shalt  }
0x5c: {  	_ =	shalt  }
0x5d: {  	_ =	shalt  }
0x5e: {  	_ =	shalt  }
0x5f: {  	_ =	shalt  }
0x60: {  	_ =	shalt  }
0x61: {  	_ =	shalt  }
0x62: {  	_ =	shalt  }
0x63: {  	_ =	shalt  }
0x64: {  	_ =	shalt  }
0x65: {  	_ =	shalt  }
0x66: {  	_ =	shalt  }
0x67: {  	_ =	shalt  }
0x68: {  	_ =	shalt  }
0x69: {  	_ =	shalt  }
0x6a: {  	_ =	shalt  }
0x6b: {  	_ =	shalt  }
0x6c: {  	_ =	shalt  }
0x6d: {  	_ =	shalt  }
0x6e: {  	_ =	shalt  }
0x6f: {  	_ =	shalt  }
0x70: {  	_ =	shalt  }
0x71: {  	_ =	shalt  }
0x72: {  	_ =	shalt  }
0x73: {  	_ =	shalt  }
0x74: {  	_ =	shalt  }
0x75: {  	_ =	shalt  }
0x76: {  	_ =	shalt  }
0x77: {  	_ =	shalt  }
0x78: {  	_ =	shalt  }
0x79: {  	_ =	shalt  }
0x7a: {  	_ =	shalt  }
0x7b: {  	_ =	shalt  }
0x7c: {  	_ =	shalt  }
0x7d: {  	_ =	shalt  }
0x7e: {  	_ =	shalt  }
0x7f: {  	_ =	shalt  }
0x80: {  	_ =	shalt  }
0x81: {  	_ =	shalt  }
0x82: {  	_ =	shalt  }
0x83: {  	_ =	shalt  }
0x84: {  	_ =	shalt  }
0x85: {  	_ =	shalt  }
0x86: {  	_ =	shalt  }
0x87: {  	_ =	shalt  }
.Lfunc_end0:
.L_simem_size_0:
called_computation_lowered:
.L_overlay_start_0:
0x88: {  	s2 =	sld [smem:$0x3FD9]  }
0x89: {  	s3 =	sld [smem:$0x3FFE];
	_ =	sdelay $0x1  }
0x8a: {  	s1 =	srdreg.scid  }
0x8b: {  	s0 =	sand.u32 $0x1, s1  }
0x8c: {  	s18 =	sshll.u32 s0, $0xA;
	s2 =	sadd.s32 s3, s2  }
0x8d: {  	s2 =	sadd.s32 s2, s18  }
0x8e: {  	[smem:$0x3FC2] =	sst s2  }
0x8f: {  	_ = 	snop  }
0x90: {  	s2 =	sld [smem:$0x3FC9]  }
0x91: {  	s19 =	sld [smem:$0x3FD0];
	(tm) =	ssettm $0x1  }
0x92: {  	s4 =	sld [smem:$0x3FFB];
	_ =	sdelay $0x3  }
0x93: {  	_ =	strace s4  }
0x94: {  	s4 =	sld [smem:$0x3FFC];
	_ =	sdelay $0x3  }
0x95: {  	_ =	strace s4  }
0x96: {  	s4 =	sld [smem:$0x3FFD];
	_ =	sdelay $0x3  }
0x97: {  	_ =	strace s4  }
0x98: {  	_ =	strace $0x8FFFFFFF  }
0x99: {  	s20 =	sld [smem:$0x3FDB];
	_ =	sdelay $0x1  }
0x9a: {  	s5 =	simm.s32 $_scs_section_size  }
0x9b: {  	s6 =	simm.s32 $_size__tile_overlayer_lowered;
	s7 =	simm.s32 $_tile_overlayer_lowered  }
0x9c: {  	s23 =	simm.s32 $0x1BFF;
	s22 =	sshll.u32 s7, $0x1;
	s4 =	sadd.s32 s5, s20  }
0x9d: {  	s8 =	simm.s32 $0x0;
	s21 =	sshll.u32 s6, $0x1;
	s6 =	sadd.s32 s22, s4  }
0x9e: {  	[timem:s8], [sflag:s23] =	dma.local [hbm:s6], s21  }
0x9f: {  	_ =	swait.ge [sflag:s23], s21  }
0xa0: {  	s5 =	ssub.s32 $0x0, s21;
	[sflag:s23] =	ssyncset.done $0x0  }
0xa1: {  	[sflag:s23] =	ssyncadd.s32 s5;
	_ =	sdelay $0x1  }
0xa2: {  	s24 =	simm.s32 $0x1B8B  }
0xa3: {  	_ =	swait.ge [sflag:s24], $0x1  }
0xa4: {  	[sflag:s24] =	ssyncset.done $0x0  }
0xa5: {  	s25 =	simm.s32 $0x1B8E;
	[sflag:s24] =	ssyncadd.s32 $0xFFFFFFFF  }
0xa6: {  	s26 =	simm.s32 $execute0_lowered;
	[smem:$0x3FD2] =	sst s25  }
0xa7: {  	s5 =	sshll.u32 s26, $0x1;
	_ =	strace $0x80000046;
	[dreg:$0x1] =	wrdreg $0xFFFFFFFF  }
0xa8: {  	s28 =	simm.s32 $_size_execute0_lowered;
	s4 =	sadd.s32 s4, s5;
	[dreg:$0x0] =	wrdreg $0x0  }
0xa9: {  	s5 =	sshll.u32 s28, $0x1;
	[dreg:$0x2] =	wrdreg s4  }
0xaa: {  	[dreg:$0x3] =	wrdreg s5  }
0xab: {  	[dreg:$0x4] =	wrdreg $0xC0  }
0xac: {  	_ =	task [dreg:s8], $0x5FFFF  }
0xad: {  	[dreg:$0x1] =	wrdreg $0xFFFFFFFF  }
0xae: {  	[dreg:$0x0] =	wrdreg $0x60  }
0xaf: {  	[dreg:$0x2] =	wrdreg s2  }
0xb0: {  	[dreg:$0x3] =	wrdreg s19  }
0xb1: {  	[dreg:$0x4] =	wrdreg $0x9  }
0xb2: {  	_ =	task.clear_ibuf [dreg:s8], $0x5FFFF;
	_ =	strace $0x90000046  }
0xb3: {  	s29 =	simm.s32 $0x9;
	_ =	strace $0x80000048  }
0xb4: {  	_ =	swait.ge [sflag:s29], $0x1  }
0xb5: {  	[sflag:s29] =	ssyncadd.s32 $0xFFFFFFFF  }
0xb6: {  	_ =	strace $0x90000048  }
0xb7: {  	_ =	sfence  }
0xb8: {  	s30 =	sld [smem:$0x0];
	_ =	sdelay $0x2  }
0xb9: {  	s31 =	sshll.u32 s1, $0xD;
	s1 =	sshrl.u32 s1, $0x2  }
0xba: {  	s3 =	sand.u32 $0x4000, s31;
	s1 =	sadd.s32 s1, s30  }
0xbb: {  	s0 =	sor.u32 s3, s0;
	s1 =	sshll.u32 s1, $0x11  }
0xbc: {  	s0 =	sor.u32 s1, s0  }
0xbd: {  	s0 =	sadd.s32 $0x8F2B, s0  }
0xbe: {  	[sflag:s0] =	ssyncadd.remote.s32 $0x1  }
0xbf: {  	_ =	sfence.sel $0xFFFF  }
0xc0: {  	[dreg:$0x0] =	wrdreg $0xFFFFFFFF;
	(pc) =	sbr.abs _section_cstart, $3  }
0xc1: {  	[dreg:$0x1] =	wrdreg $0xFFFFFFFF  }
0xc2: {  	_ =	task.clear_ibuf [dreg:s8], $0x2FFFF;
	_ =	strace $0x9FFFFFFF  }
0xc3: {  	(tm) =	ssettm $0x7FFFFFFF  }
tec
execute0_lowered:
.L_overlay_start_1:
0x0: {  	(tag) =	ssettag $0x1  }
0x1: {  	s0 =	srdreg.scid;
	s2 =	rddreg [dreg:$0x0]  }
0x2: {  	s1 =	stileid.u32;
	s12 =	rddreg [dreg:$0x1]  }
0x3: {  	s3 =	simm.s32 $0x0;
	s14 =	simm.s32 $0x6000;
	s15 =	simm.s32 $0xC000  }
0x4: {  	s16 =	simm.s32 $0x12000;
	s17 =	simm.s32 $0x1;
	s18 =	simm.s32 $0x2  }
0x5: {  	s19 =	simm.s32 $0x3;
	s0 =	sand.u32 $0x1, s0;
	s1 =	sshll.u32 s1, $0x1  }
0x6: {  	s20 =	simm.s32 $0x4;
	s21 =	simm.s32 $0x18000;
	s1 =	sor.u32 s0, s1  }
0x7: {  	s22 =	simm.s32 $0x5;
	s0 =	ssub.s32 $0x2, s0;
	s1 =	smul.u32 $0x6000, s1  }
0x8: {  	s23 =	simm.s32 $0x0;
	[smem:$0x7FF] =	sst s3;
	s4 =	sshrl.u32 s0, $0x1  }
0x9: {  	_ =	strace $0x80000047;
	s0 =	ssub.s32 s0, s4;
	s13 =	sshrl.u32 s1, $0x3  }
.Ltmp0:
0xa: {  	s6 =	sadd.s32 $0x1F80000, s1;
	s7 =	sadd.s32 $0x2040000, s1;
	(pc) =	sbr.rel .LBB2_1-.Ltmp0, $4  }
0xb: {  	s11 =	sor.u32 $0x1E00000, s1;
	s5 =	sadd.s32 s13, s2;
	s9 =	sshrl.u32 s6, $0x3  }
0xc: {  	s10 =	sshrl.u32 s7, $0x3;
	s4 =	sadd.s32 $0x3C0000, s5;
	s5 =	sadd.s32 $0x1EC0000, s1  }
0xd: {  	s12 =	sadd.s32 s12, s13;
	s13 =	smax.u32 s0, $0x1;
	s8 =	sshrl.u32 s5, $0x3  }
0xe: {  	v0 =	vimm.f32 $0.0e+00;
	s9 =	sadd.s32 s2, s9;
	s10 =	sadd.s32 s2, s10;
	s8 =	sadd.s32 s2, s8  }
.LBB2_24:
0xf: {  	s23 =	sadd.s32 $0x1, s23  }
0x10: {  	p0 =	sne.s32 s23, s13  }
.Ltmp1:
0x11: {  	s0 =	simm.s32 $0x0;
	(pc) =	sbr.rel @!p0 .LBB2_25-.Ltmp1, $4  }
0x12: {  	[hbm4b:s12+s0] =	stream.linear.scatter [tilespmem:s21], [sflag:$0x5], $0x6000, $0x38;
	[tilespmem:$0x1E000] =	vst v63  }
0x13: {  	_ =	swait.ge [sflag:s22], $0x6000  }
0x14: {  	[sflag:s22] =	ssyncset.done $0x0  }
0x15: {  	[sflag:s22] =	ssyncadd.s32 $0xFFFFA000  }
.LBB2_1:
0x16: {  	s24 =	simm.s32 $0x0;
	s25 =	simm.s32 $0x0  }
.LBB2_2:
0x17: {  	s0 =	sshrl.u32 s25, $0x3  }
0x18: {  	s1 =	sand.u32 $0x7, s24;
	s0 =	smul.u32 $0x6000, s0  }
0x19: {  	s1 =	sshll.u32 s1, $0x9  }
0x1a: {  	s0 =	sor.u32 s1, s0  }
0x1b: {  	s0 =	sshra.s32 s0, $0x2  }
0x1c: {  	s0 =	sadd.s32 $0x18040, s0  }
0x1d: {  	[tilespmem:s0+$0xFFFFFFC0] =	vst v0  }
0x1e: {  	[tilespmem:s0+$0x30] =	vst v0  }
0x1f: {  	[tilespmem:s0+$0x20] =	vst v0  }
0x20: {  	[tilespmem:s0+$0x10] =	vst v0  }
0x21: {  	[tilespmem:s0+$0x0] =	vst v0  }
0x22: {  	[tilespmem:s0+$0xFFFFFFF0] =	vst v0  }
0x23: {  	s1 =	simm.s32 $0x0;
	[tilespmem:s0+$0xFFFFFFE0] =	vst v0  }
.LBB2_3:
0x24: {  	s1 =	sadd.s32 $0x80, s1;
	[tilespmem:s0+$0xFFFFFFD0] =	vst v0;
	s0 =	sadd.s32 $0x400, s0  }
0x25: {  	[tilespmem:s0+$0xFFFFFFC0] =	vst v0;
	p0 =	slt.u32 s1, $0x280  }
0x26: {  	[tilespmem:s0+$0x30] =	vst v0  }
.Ltmp2:
0x27: {  	[tilespmem:s0+$0x20] =	vst v0;
	(pc) =	sbr.rel @p0 .LBB2_3-.Ltmp2, $4  }
0x28: {  	[tilespmem:s0+$0x10] =	vst v0  }
0x29: {  	[tilespmem:s0+$0x0] =	vst v0  }
0x2a: {  	[tilespmem:s0+$0xFFFFFFF0] =	vst v0  }
0x2b: {  	[tilespmem:s0+$0xFFFFFFE0] =	vst v0  }
0x2c: {  	s25 =	sadd.s32 $0x1, s25  }
0x2d: {  	p0 =	sne.s32 s25, $0x20  }
.Ltmp3:
0x2e: {  	_ = 	snop;
	(pc) =	sbr.rel @p0 .LBB2_2-.Ltmp3, $2  }
0x2f: {  	_ =	sdelay $0x2  }
0x30: {  	[tilespmem:s0+$0xFFFFFFD0] =	vst v0;
	s24 =	sadd.s32 $0x1, s24  }
0x31: {  	s24 =	simm.s32 $0x0  }
0x32: {  	[tilespmem:s24], [sflag:$0x1] =	stream.linear.gather [hbm4b:s4+s24], $0x6000, $0x38;
	[tilespmem:$0x1E000] =	vst v63  }
0x33: {  	_ = 	snop  }
0x34: {  	[tilespmem:s14], [sflag:$0x2] =	stream.linear.gather [hbm4b:s8+s24], $0x6000, $0x38;
	[tilespmem:$0x1E000] =	vst v63  }
0x35: {  	s0 =	smov.u32 s10;
	s26 =	simm.s32 $0x0  }
0x36: {  	[tilespmem:s15], [sflag:$0x3] =	stream.linear.gather [hbm4b:s9+s24], $0x6000, $0x38;
	[tilespmem:$0x1E000] =	vst v63  }
.LBB2_6:
0x37: {  	[tilespmem:s16], [sflag:$0x4] =	stream.linear.gather [hbm4b:s0+s24], $0x6000, $0x38;
	[tilespmem:$0x1E000] =	vst v63  }
0x38: {  	_ =	swait.ge [sflag:s17], $0x6000  }
0x39: {  	[sflag:s17] =	ssyncset.done $0x0  }
0x3a: {  	s25 =	simm.s32 $0x0;
	s28 =	simm.s32 $0x0;
	[sflag:s17] =	ssyncadd.s32 $0xFFFFA000  }
.LBB2_7:
0x3b: {  	s0 =	sand.u32 $0x7, s25  }
0x3c: {  	s0 =	sshll.u32 s0, $0x9  }
0x3d: {  	s29 =	sshrl.u32 s0, $0x2  }
0x3e: {  	s3 =	sshrl.u32 s28, $0x3;
	v1 =	vmov s29  }
0x3f: {  	s0 =	smul.u32 $0x6000, s3;
	_ =	sdelay $0x1  }
0x40: {  	s0 =	sshra.s32 s0, $0x2  }
0x41: {  	s1 =	sor.u32 $0x40, s0  }
0x42: {  	v2 =	vld.idx.msk [tilespmem:v1+s1+$0x30 ss:$0x1], $0xffff  }
0x43: {  	v3 =	vld.idx.msk [tilespmem:v1+s1+$0xFFFFFFD0 ss:$0x1], $0xffff  }
0x44: {  	v4 =	vld.idx.msk [tilespmem:v1+s1+$0xFFFFFFE0 ss:$0x1], $0xffff  }
0x45: {  	v5 =	vld.idx.msk [tilespmem:v1+s1+$0xFFFFFFF0 ss:$0x1], $0xffff  }
0x46: {  	v6 =	vld.idx.msk [tilespmem:v1+s1+$0x0 ss:$0x1], $0xffff  }
0x47: {  	s30 =	sadd.s32 $0x18000, s0;
	v7 =	vld.idx.msk [tilespmem:v1+s1+$0x10 ss:$0x1], $0xffff  }
0x48: {  	s0 =	sadd.s32 s29, s30;
	v8 =	vld.idx.msk [tilespmem:v1+s1+$0xFFFFFFC0 ss:$0x1], $0xffff  }
0x49: {  	[tilespmem:s0+$0x70] =	vst.add.f32.msk $0xffff, v2  }
0x4a: {  	v2 =	vld.idx.msk [tilespmem:v1+s1+$0x20 ss:$0x1], $0xffff  }
0x4b: {  	[tilespmem:s0+$0x10] =	vst.add.f32.msk $0xffff, v3  }
0x4c: {  	[tilespmem:s0+$0x20] =	vst.add.f32.msk $0xffff, v4  }
0x4d: {  	[tilespmem:s0+$0x30] =	vst.add.f32.msk $0xffff, v5  }
0x4e: {  	[tilespmem:s0+$0x40] =	vst.add.f32.msk $0xffff, v6  }
0x4f: {  	[tilespmem:s0+$0x50] =	vst.add.f32.msk $0xffff, v7  }
0x50: {  	[tilespmem:s0+$0x0] =	vst.add.f32.msk $0xffff, v8  }
0x51: {  	s31 =	simm.s32 $0x0;
	s1 =	sadd.s32 $0x400, s1;
	[tilespmem:s0+$0x60] =	vst.add.f32.msk $0xffff, v2  }
.LBB2_8:
0x52: {  	v2 =	vld.idx.msk [tilespmem:v1+s1+$0x30 ss:$0x1], $0xffff;
	s31 =	sadd.s32 $0x80, s31  }
0x53: {  	v3 =	vld.idx.msk [tilespmem:v1+s1+$0xFFFFFFD0 ss:$0x1], $0xffff;
	p0 =	slt.u32 s31, $0x280  }
0x54: {  	v4 =	vld.idx.msk [tilespmem:v1+s1+$0xFFFFFFE0 ss:$0x1], $0xffff  }
0x55: {  	v5 =	vld.idx.msk [tilespmem:v1+s1+$0xFFFFFFF0 ss:$0x1], $0xffff  }
0x56: {  	s30 =	sadd.s32 $0x400, s30;
	v6 =	vld.idx.msk [tilespmem:v1+s1+$0x0 ss:$0x1], $0xffff  }
0x57: {  	s0 =	sadd.s32 s29, s30;
	v7 =	vld.idx.msk [tilespmem:v1+s1+$0x10 ss:$0x1], $0xffff  }
0x58: {  	[tilespmem:s0+$0x70] =	vst.add.f32.msk $0xffff, v2  }
0x59: {  	v2 =	vld.idx.msk [tilespmem:v1+s1+$0x20 ss:$0x1], $0xffff  }
0x5a: {  	v8 =	vld.idx.msk [tilespmem:v1+s1+$0xFFFFFFC0 ss:$0x1], $0xffff  }
0x5b: {  	[tilespmem:s0+$0x10] =	vst.add.f32.msk $0xffff, v3  }
0x5c: {  	[tilespmem:s0+$0x20] =	vst.add.f32.msk $0xffff, v4  }
.Ltmp4:
0x5d: {  	[tilespmem:s0+$0x30] =	vst.add.f32.msk $0xffff, v5;
	(pc) =	sbr.rel @p0 .LBB2_8-.Ltmp4, $4  }
0x5e: {  	[tilespmem:s0+$0x40] =	vst.add.f32.msk $0xffff, v6  }
0x5f: {  	[tilespmem:s0+$0x50] =	vst.add.f32.msk $0xffff, v7  }
0x60: {  	[tilespmem:s0+$0x0] =	vst.add.f32.msk $0xffff, v8  }
0x61: {  	s1 =	sadd.s32 $0x400, s1;
	[tilespmem:s0+$0x60] =	vst.add.f32.msk $0xffff, v2  }
0x62: {  	s28 =	sadd.s32 $0x1, s28  }
0x63: {  	p0 =	sne.s32 s28, $0x20  }
.Ltmp5:
0x64: {  	_ = 	snop;
	(pc) =	sbr.rel @p0 .LBB2_7-.Ltmp5, $2  }
0x65: {  	_ =	sdelay $0x2  }
0x66: {  	s25 =	sadd.s32 $0x1, s25  }
0x67: {  	s25 =	sadd.s32 $0x1, s26;
	p0 =	seq.s32 s26, $0x5  }
0x68: {  	s26 =	smul.u32 @!p0 $0x300000, s25;
	_ =	sdelay $0x1  }
0x69: {  	s0 =	sadd.s32 @!p0 s11, s26  }
0x6a: {  	s0 =	sshrl.u32 @!p0 s0, $0x3  }
0x6b: {  	s1 =	simm.s32 @!p0 $0x0;
	s0 =	sadd.s32 @!p0 s2, s0  }
0x6c: {  	[tilespmem:s1], [sflag:$0x1] =	stream.linear.gather @!p0 [hbm4b:s0+s1], $0x6000, $0x38;
	[tilespmem:$0x1E000] =	vst v63  }
0x6d: {  	_ =	swait.ge [sflag:s18], $0x6000  }
0x6e: {  	[sflag:s18] =	ssyncset.done $0x0  }
0x6f: {  	s28 =	simm.s32 $0x0;
	s29 =	simm.s32 $0x0;
	[sflag:s18] =	ssyncadd.s32 $0xFFFFA000  }
.LBB2_11:
0x70: {  	s0 =	sand.u32 $0x7, s28  }
0x71: {  	s0 =	sshll.u32 s0, $0x9  }
0x72: {  	s30 =	sshrl.u32 s0, $0x2  }
0x73: {  	s3 =	sshrl.u32 s29, $0x3;
	v1 =	vmov s30  }
0x74: {  	s0 =	smul.u32 $0x6000, s3;
	_ =	sdelay $0x1  }
0x75: {  	s0 =	sshra.s32 s0, $0x2  }
0x76: {  	s3 =	sadd.s32 $0x6040, s0  }
0x77: {  	v2 =	vld.idx.msk [tilespmem:v1+s3+$0x30 ss:$0x1], $0xffff  }
0x78: {  	v3 =	vld.idx.msk [tilespmem:v1+s3+$0xFFFFFFD0 ss:$0x1], $0xffff  }
0x79: {  	v4 =	vld.idx.msk [tilespmem:v1+s3+$0xFFFFFFE0 ss:$0x1], $0xffff  }
0x7a: {  	v5 =	vld.idx.msk [tilespmem:v1+s3+$0xFFFFFFF0 ss:$0x1], $0xffff  }
0x7b: {  	v6 =	vld.idx.msk [tilespmem:v1+s3+$0x0 ss:$0x1], $0xffff  }
0x7c: {  	s31 =	sadd.s32 $0x18000, s0;
	v7 =	vld.idx.msk [tilespmem:v1+s3+$0x10 ss:$0x1], $0xffff  }
0x7d: {  	s0 =	sadd.s32 s30, s31;
	v8 =	vld.idx.msk [tilespmem:v1+s3+$0xFFFFFFC0 ss:$0x1], $0xffff  }
0x7e: {  	[tilespmem:s0+$0x70] =	vst.add.f32.msk $0xffff, v2  }
0x7f: {  	v2 =	vld.idx.msk [tilespmem:v1+s3+$0x20 ss:$0x1], $0xffff  }
0x80: {  	[tilespmem:s0+$0x10] =	vst.add.f32.msk $0xffff, v3  }
0x81: {  	[tilespmem:s0+$0x20] =	vst.add.f32.msk $0xffff, v4  }
0x82: {  	[tilespmem:s0+$0x30] =	vst.add.f32.msk $0xffff, v5  }
0x83: {  	[tilespmem:s0+$0x40] =	vst.add.f32.msk $0xffff, v6  }
0x84: {  	[tilespmem:s0+$0x50] =	vst.add.f32.msk $0xffff, v7  }
0x85: {  	[tilespmem:s0+$0x0] =	vst.add.f32.msk $0xffff, v8  }
0x86: {  	s1 =	simm.s32 $0x0;
	[tilespmem:s0+$0x60] =	vst.add.f32.msk $0xffff, v2;
	s0 =	sadd.s32 $0x400, s3  }
.LBB2_12:
0x87: {  	v2 =	vld.idx.msk [tilespmem:v1+s0+$0x30 ss:$0x1], $0xffff;
	s1 =	sadd.s32 $0x80, s1  }
0x88: {  	v3 =	vld.idx.msk [tilespmem:v1+s0+$0xFFFFFFD0 ss:$0x1], $0xffff;
	p1 =	slt.u32 s1, $0x280  }
0x89: {  	v4 =	vld.idx.msk [tilespmem:v1+s0+$0xFFFFFFE0 ss:$0x1], $0xffff  }
0x8a: {  	v5 =	vld.idx.msk [tilespmem:v1+s0+$0xFFFFFFF0 ss:$0x1], $0xffff  }
0x8b: {  	s31 =	sadd.s32 $0x400, s31;
	v6 =	vld.idx.msk [tilespmem:v1+s0+$0x0 ss:$0x1], $0xffff  }
0x8c: {  	s3 =	sadd.s32 s30, s31;
	v7 =	vld.idx.msk [tilespmem:v1+s0+$0x10 ss:$0x1], $0xffff  }
0x8d: {  	[tilespmem:s3+$0x70] =	vst.add.f32.msk $0xffff, v2  }
0x8e: {  	v2 =	vld.idx.msk [tilespmem:v1+s0+$0x20 ss:$0x1], $0xffff  }
0x8f: {  	v8 =	vld.idx.msk [tilespmem:v1+s0+$0xFFFFFFC0 ss:$0x1], $0xffff  }
0x90: {  	[tilespmem:s3+$0x10] =	vst.add.f32.msk $0xffff, v3  }
0x91: {  	[tilespmem:s3+$0x20] =	vst.add.f32.msk $0xffff, v4  }
.Ltmp6:
0x92: {  	[tilespmem:s3+$0x30] =	vst.add.f32.msk $0xffff, v5;
	(pc) =	sbr.rel @p1 .LBB2_12-.Ltmp6, $4  }
0x93: {  	[tilespmem:s3+$0x40] =	vst.add.f32.msk $0xffff, v6  }
0x94: {  	[tilespmem:s3+$0x50] =	vst.add.f32.msk $0xffff, v7  }
0x95: {  	[tilespmem:s3+$0x0] =	vst.add.f32.msk $0xffff, v8  }
0x96: {  	s0 =	sadd.s32 $0x400, s0;
	[tilespmem:s3+$0x60] =	vst.add.f32.msk $0xffff, v2  }
0x97: {  	s29 =	sadd.s32 $0x1, s29  }
0x98: {  	p1 =	sne.s32 s29, $0x20  }
.Ltmp7:
0x99: {  	_ = 	snop;
	(pc) =	sbr.rel @p1 .LBB2_11-.Ltmp7, $2  }
0x9a: {  	_ =	sdelay $0x2  }
0x9b: {  	s28 =	sadd.s32 $0x1, s28  }
0x9c: {  	s0 =	sadd.s32 @!p0 s26, s5  }
0x9d: {  	s0 =	sshrl.u32 @!p0 s0, $0x3  }
0x9e: {  	s1 =	simm.s32 @!p0 $0x0;
	s3 =	simm.s32 @!p0 $0x6000;
	s0 =	sadd.s32 @!p0 s2, s0  }
0x9f: {  	[tilespmem:s3], [sflag:$0x2] =	stream.linear.gather @!p0 [hbm4b:s0+s1], $0x6000, $0x38;
	[tilespmem:$0x1E000] =	vst v63  }
0xa0: {  	_ =	swait.ge [sflag:s19], $0x6000  }
0xa1: {  	[sflag:s19] =	ssyncset.done $0x0  }
0xa2: {  	s28 =	simm.s32 $0x0;
	s29 =	simm.s32 $0x0;
	[sflag:s19] =	ssyncadd.s32 $0xFFFFA000  }
.LBB2_15:
0xa3: {  	s0 =	sand.u32 $0x7, s28  }
0xa4: {  	s0 =	sshll.u32 s0, $0x9  }
0xa5: {  	s30 =	sshrl.u32 s0, $0x2  }
0xa6: {  	s3 =	sshrl.u32 s29, $0x3;
	v1 =	vmov s30  }
0xa7: {  	s0 =	smul.u32 $0x6000, s3;
	_ =	sdelay $0x1  }
0xa8: {  	s0 =	sshra.s32 s0, $0x2  }
0xa9: {  	s3 =	sadd.s32 $0xC040, s0  }
0xaa: {  	v2 =	vld.idx.msk [tilespmem:v1+s3+$0x30 ss:$0x1], $0xffff  }
0xab: {  	v3 =	vld.idx.msk [tilespmem:v1+s3+$0xFFFFFFD0 ss:$0x1], $0xffff  }
0xac: {  	v4 =	vld.idx.msk [tilespmem:v1+s3+$0xFFFFFFE0 ss:$0x1], $0xffff  }
0xad: {  	v5 =	vld.idx.msk [tilespmem:v1+s3+$0xFFFFFFF0 ss:$0x1], $0xffff  }
0xae: {  	v6 =	vld.idx.msk [tilespmem:v1+s3+$0x0 ss:$0x1], $0xffff  }
0xaf: {  	s31 =	sadd.s32 $0x18000, s0;
	v7 =	vld.idx.msk [tilespmem:v1+s3+$0x10 ss:$0x1], $0xffff  }
0xb0: {  	s0 =	sadd.s32 s30, s31;
	v8 =	vld.idx.msk [tilespmem:v1+s3+$0xFFFFFFC0 ss:$0x1], $0xffff  }
0xb1: {  	[tilespmem:s0+$0x70] =	vst.add.f32.msk $0xffff, v2  }
0xb2: {  	v2 =	vld.idx.msk [tilespmem:v1+s3+$0x20 ss:$0x1], $0xffff  }
0xb3: {  	[tilespmem:s0+$0x10] =	vst.add.f32.msk $0xffff, v3  }
0xb4: {  	[tilespmem:s0+$0x20] =	vst.add.f32.msk $0xffff, v4  }
0xb5: {  	[tilespmem:s0+$0x30] =	vst.add.f32.msk $0xffff, v5  }
0xb6: {  	[tilespmem:s0+$0x40] =	vst.add.f32.msk $0xffff, v6  }
0xb7: {  	[tilespmem:s0+$0x50] =	vst.add.f32.msk $0xffff, v7  }
0xb8: {  	[tilespmem:s0+$0x0] =	vst.add.f32.msk $0xffff, v8  }
0xb9: {  	s1 =	simm.s32 $0x0;
	[tilespmem:s0+$0x60] =	vst.add.f32.msk $0xffff, v2;
	s0 =	sadd.s32 $0x400, s3  }
.LBB2_16:
0xba: {  	v2 =	vld.idx.msk [tilespmem:v1+s0+$0x30 ss:$0x1], $0xffff;
	s1 =	sadd.s32 $0x80, s1  }
0xbb: {  	v3 =	vld.idx.msk [tilespmem:v1+s0+$0xFFFFFFD0 ss:$0x1], $0xffff;
	p1 =	slt.u32 s1, $0x280  }
0xbc: {  	v4 =	vld.idx.msk [tilespmem:v1+s0+$0xFFFFFFE0 ss:$0x1], $0xffff  }
0xbd: {  	v5 =	vld.idx.msk [tilespmem:v1+s0+$0xFFFFFFF0 ss:$0x1], $0xffff  }
0xbe: {  	s31 =	sadd.s32 $0x400, s31;
	v6 =	vld.idx.msk [tilespmem:v1+s0+$0x0 ss:$0x1], $0xffff  }
0xbf: {  	s3 =	sadd.s32 s30, s31;
	v7 =	vld.idx.msk [tilespmem:v1+s0+$0x10 ss:$0x1], $0xffff  }
0xc0: {  	[tilespmem:s3+$0x70] =	vst.add.f32.msk $0xffff, v2  }
0xc1: {  	v2 =	vld.idx.msk [tilespmem:v1+s0+$0x20 ss:$0x1], $0xffff  }
0xc2: {  	v8 =	vld.idx.msk [tilespmem:v1+s0+$0xFFFFFFC0 ss:$0x1], $0xffff  }
0xc3: {  	[tilespmem:s3+$0x10] =	vst.add.f32.msk $0xffff, v3  }
0xc4: {  	[tilespmem:s3+$0x20] =	vst.add.f32.msk $0xffff, v4  }
.Ltmp8:
0xc5: {  	[tilespmem:s3+$0x30] =	vst.add.f32.msk $0xffff, v5;
	(pc) =	sbr.rel @p1 .LBB2_16-.Ltmp8, $4  }
0xc6: {  	[tilespmem:s3+$0x40] =	vst.add.f32.msk $0xffff, v6  }
0xc7: {  	[tilespmem:s3+$0x50] =	vst.add.f32.msk $0xffff, v7  }
0xc8: {  	[tilespmem:s3+$0x0] =	vst.add.f32.msk $0xffff, v8  }
0xc9: {  	s0 =	sadd.s32 $0x400, s0;
	[tilespmem:s3+$0x60] =	vst.add.f32.msk $0xffff, v2  }
0xca: {  	s29 =	sadd.s32 $0x1, s29  }
0xcb: {  	p1 =	sne.s32 s29, $0x20  }
.Ltmp9:
0xcc: {  	_ = 	snop;
	(pc) =	sbr.rel @p1 .LBB2_15-.Ltmp9, $2  }
0xcd: {  	_ =	sdelay $0x2  }
0xce: {  	s28 =	sadd.s32 $0x1, s28  }
0xcf: {  	s0 =	sadd.s32 @!p0 s26, s6  }
0xd0: {  	s0 =	sshrl.u32 @!p0 s0, $0x3  }
0xd1: {  	s1 =	simm.s32 @!p0 $0x0;
	s3 =	simm.s32 @!p0 $0xC000;
	s0 =	sadd.s32 @!p0 s2, s0  }
0xd2: {  	[tilespmem:s3], [sflag:$0x3] =	stream.linear.gather @!p0 [hbm4b:s0+s1], $0x6000, $0x38;
	[tilespmem:$0x1E000] =	vst v63  }
0xd3: {  	_ =	swait.ge [sflag:s20], $0x6000  }
0xd4: {  	[sflag:s20] =	ssyncset.done $0x0  }
0xd5: {  	s26 =	simm.s32 $0x0;
	s28 =	simm.s32 $0x0;
	[sflag:s20] =	ssyncadd.s32 $0xFFFFA000  }
.LBB2_19:
0xd6: {  	s0 =	sand.u32 $0x7, s26  }
0xd7: {  	s0 =	sshll.u32 s0, $0x9  }
0xd8: {  	s29 =	sshrl.u32 s0, $0x2  }
0xd9: {  	s31 =	sshrl.u32 s28, $0x3;
	v1 =	vmov s29  }
0xda: {  	s0 =	smul.u32 $0x6000, s31;
	_ =	sdelay $0x1  }
0xdb: {  	s0 =	sshra.s32 s0, $0x2  }
0xdc: {  	s3 =	sadd.s32 $0x12040, s0  }
0xdd: {  	v2 =	vld.idx.msk [tilespmem:v1+s3+$0x30 ss:$0x1], $0xffff  }
0xde: {  	v3 =	vld.idx.msk [tilespmem:v1+s3+$0xFFFFFFD0 ss:$0x1], $0xffff  }
0xdf: {  	v4 =	vld.idx.msk [tilespmem:v1+s3+$0xFFFFFFE0 ss:$0x1], $0xffff  }
0xe0: {  	v5 =	vld.idx.msk [tilespmem:v1+s3+$0xFFFFFFF0 ss:$0x1], $0xffff  }
0xe1: {  	v6 =	vld.idx.msk [tilespmem:v1+s3+$0x0 ss:$0x1], $0xffff  }
0xe2: {  	s30 =	sadd.s32 $0x18000, s0;
	v7 =	vld.idx.msk [tilespmem:v1+s3+$0x10 ss:$0x1], $0xffff  }
0xe3: {  	s0 =	sadd.s32 s29, s30;
	v8 =	vld.idx.msk [tilespmem:v1+s3+$0xFFFFFFC0 ss:$0x1], $0xffff  }
0xe4: {  	[tilespmem:s0+$0x70] =	vst.add.f32.msk $0xffff, v2  }
0xe5: {  	v2 =	vld.idx.msk [tilespmem:v1+s3+$0x20 ss:$0x1], $0xffff  }
0xe6: {  	[tilespmem:s0+$0x10] =	vst.add.f32.msk $0xffff, v3  }
0xe7: {  	[tilespmem:s0+$0x20] =	vst.add.f32.msk $0xffff, v4  }
0xe8: {  	[tilespmem:s0+$0x30] =	vst.add.f32.msk $0xffff, v5  }
0xe9: {  	[tilespmem:s0+$0x40] =	vst.add.f32.msk $0xffff, v6  }
0xea: {  	[tilespmem:s0+$0x50] =	vst.add.f32.msk $0xffff, v7  }
0xeb: {  	[tilespmem:s0+$0x0] =	vst.add.f32.msk $0xffff, v8  }
0xec: {  	s1 =	simm.s32 $0x0;
	[tilespmem:s0+$0x60] =	vst.add.f32.msk $0xffff, v2;
	s0 =	sadd.s32 $0x400, s3  }
.LBB2_20:
0xed: {  	v2 =	vld.idx.msk [tilespmem:v1+s0+$0x30 ss:$0x1], $0xffff;
	s1 =	sadd.s32 $0x80, s1  }
0xee: {  	v3 =	vld.idx.msk [tilespmem:v1+s0+$0xFFFFFFD0 ss:$0x1], $0xffff;
	p1 =	slt.u32 s1, $0x280  }
0xef: {  	v4 =	vld.idx.msk [tilespmem:v1+s0+$0xFFFFFFE0 ss:$0x1], $0xffff  }
0xf0: {  	v5 =	vld.idx.msk [tilespmem:v1+s0+$0xFFFFFFF0 ss:$0x1], $0xffff  }
0xf1: {  	s30 =	sadd.s32 $0x400, s30;
	v6 =	vld.idx.msk [tilespmem:v1+s0+$0x0 ss:$0x1], $0xffff  }
0xf2: {  	s3 =	sadd.s32 s29, s30;
	v7 =	vld.idx.msk [tilespmem:v1+s0+$0x10 ss:$0x1], $0xffff  }
0xf3: {  	[tilespmem:s3+$0x70] =	vst.add.f32.msk $0xffff, v2  }
0xf4: {  	v2 =	vld.idx.msk [tilespmem:v1+s0+$0x20 ss:$0x1], $0xffff  }
0xf5: {  	v8 =	vld.idx.msk [tilespmem:v1+s0+$0xFFFFFFC0 ss:$0x1], $0xffff  }
0xf6: {  	[tilespmem:s3+$0x10] =	vst.add.f32.msk $0xffff, v3  }
0xf7: {  	[tilespmem:s3+$0x20] =	vst.add.f32.msk $0xffff, v4  }
.Ltmp10:
0xf8: {  	[tilespmem:s3+$0x30] =	vst.add.f32.msk $0xffff, v5;
	(pc) =	sbr.rel @p1 .LBB2_20-.Ltmp10, $4  }
0xf9: {  	[tilespmem:s3+$0x40] =	vst.add.f32.msk $0xffff, v6  }
0xfa: {  	[tilespmem:s3+$0x50] =	vst.add.f32.msk $0xffff, v7  }
0xfb: {  	[tilespmem:s3+$0x0] =	vst.add.f32.msk $0xffff, v8  }
0xfc: {  	s0 =	sadd.s32 $0x400, s0;
	[tilespmem:s3+$0x60] =	vst.add.f32.msk $0xffff, v2  }
0xfd: {  	s28 =	sadd.s32 $0x1, s28  }
0xfe: {  	p1 =	sne.s32 s28, $0x20  }
.Ltmp11:
0xff: {  	_ = 	snop;
	(pc) =	sbr.rel @p1 .LBB2_19-.Ltmp11, $2  }
0x100: {  	_ =	sdelay $0x2  }
0x101: {  	s26 =	sadd.s32 $0x1, s26  }
.Ltmp12:
0x102: {  	(pc) =	sbr.rel @p0 .LBB2_24-.Ltmp12, $1  }
0x103: {  	_ =	sdelay $0x3  }
0x104: {  	s0 =	smul.u32 $0x300000, s25  }
.Ltmp13:
0x105: {  	_ = 	snop;
	(pc) =	sbr.rel .LBB2_6-.Ltmp13, $4  }
0x106: {  	_ = 	snop  }
0x107: {  	s0 =	sadd.s32 s0, s7  }
0x108: {  	s0 =	sshrl.u32 s0, $0x3  }
0x109: {  	s26 =	smov.u32 s25;
	s0 =	sadd.s32 s2, s0  }
.LBB2_25:
0x10a: {  	_ =	sfence.sel $0x180000  }
0x10b: {  	[bflag:$0x0] =	sbarrier.arrive $0xFFFF  }
0x10c: {  	_ =	strace $0x90000047  }
0x10d: {  	s0 =	stileid.u32;
	[bflag:$0x2] =	sbarrier.arrive $0xFFFF  }
0x10e: {  	p0 =	sne.s32 s0, $0x0;
	s0 =	rddreg [dreg:$0x2]  }
0x10f: {  	s0 =	sadd.s32 @!p0 $0x100000, s0  }
0x110: {  	[sflag:s0] =	ssyncadd.tile.s32 @!p0 $0x1;
	_ =	shalt  }
.Lfunc_end2:
_tile_overlayer_lowered:
.L_overlay_start_2:
0x111: {  	(tag) =	ssettag $0x2  }
0x112: {  	s0 =	rddreg [dreg:$0x0];
	s2 =	stileid.u32  }
0x113: {  	s1 =	rddreg [dreg:$0x1];
	p0 =	sne.s32 s2, $0x0  }
0x114: {  	s3 =	rddreg [dreg:$0x2];
	[bflag:$0x3] =	sbarrier.arrive $0xFFFF;
	s2 =	simm.s32 @!p0 $0x1C05  }
0x115: {  	[timem:s3], [sflag:s2] =	dma.local @!p0 [hbm:s0], s1  }
0x116: {  	s0 =	simm.s32 @!p0 $0x5  }
0x117: {  	_ =	swait.ge @!p0 [sflag:s0], s1  }
0x118: {  	s1 =	ssub.s32 @!p0 $0x0, s1;
	[sflag:s0] =	ssyncset.done @!p0 $0x0  }
0x119: {  	[sflag:s0] =	ssyncadd.s32 @!p0 s1  }
0x11a: {  	[bflag:$0x3] =	sbarrier.arrive $0xFFFF  }
0x11b: {  	_ =	shalt  }

</sc_bundles>
